<compile_context>
chip_gen: v7x
topology: tpu7x:2x2x1
jax: 0.10.2.dev20260603
libtpu: 0.0.44.dev20260713+nightly
codegen_flags: <defaults>
</compile_context>

<pallas_src>
import functools

import jax
import jax.numpy as jnp
from jax import lax
from jax.experimental import pallas as pl
from jax.experimental.pallas import tpu as pltpu
from jax.experimental.pallas import tpu_sc as plsc

D = 128
PATH_LEN = 4096
NUM_CAND = 64

NC = 2
NS = 16
NW = NC * NS
ROWS_PER_TILE = PATH_LEN // NW
NCHUNK = 2
CHUNK = ROWS_PER_TILE // NCHUNK
UNROLL = 2
L = 16
DV = D // L

CAND_TILE = 1
TARG_TILE = 3


def _sc_gather(hex_embed, path_ids, candidate_ids, target_id):
    mesh = plsc.VectorSubcoreMesh(core_axis_name="c", subcore_axis_name="s")

    @functools.partial(
        pl.kernel,
        out_type=(
            jax.ShapeDtypeStruct((NW, D), jnp.float32),
            jax.ShapeDtypeStruct((NUM_CAND + 1, D), jnp.float32),
        ),
        mesh=mesh,
        scratch_types=[
            pltpu.VMEM((ROWS_PER_TILE,), jnp.int32),
            [pltpu.VMEM((CHUNK, D), jnp.float32) for _ in range(NCHUNK)],
            pltpu.VMEM((1, D), jnp.float32),
            pltpu.VMEM((NUM_CAND,), jnp.int32),
            pltpu.VMEM((NUM_CAND, D), jnp.float32),
            pltpu.VMEM((1,), jnp.int32),
            pltpu.VMEM((1, D), jnp.float32),
            [pltpu.SemaphoreType.DMA for _ in range(NCHUNK)],
            pltpu.SemaphoreType.DMA,
        ],
    )
    def k(table_hbm, pids_hbm, cids_hbm, tid_hbm,
          partial_out, extra_out,
          idx_v, rows, acc_v, eidx_v, erows_v,
          tidx_v, trow_v, sems, sem_e):
        wid = lax.axis_index("s") * NC + lax.axis_index("c")
        base = wid * ROWS_PER_TILE
        pltpu.sync_copy(pids_hbm.at[pl.ds(base, ROWS_PER_TILE)], idx_v)
        for c in range(NCHUNK):
            pltpu.make_async_copy(
                table_hbm.at[idx_v.at[pl.ds(c * CHUNK, CHUNK)]],
                rows[c], sems[c]).start()

        @pl.when(wid == CAND_TILE)
        def _():
            pltpu.sync_copy(cids_hbm, eidx_v)
            pltpu.make_async_copy(table_hbm.at[eidx_v], erows_v, sem_e).start()

        @pl.when(wid == TARG_TILE)
        def _():
            pltpu.sync_copy(tid_hbm, tidx_v)
            pltpu.make_async_copy(table_hbm.at[tidx_v], trow_v, sem_e).start()

        def accum_chunk(rows_v, acc):
            def body(it, a):
                r0 = it * UNROLL
                for dr in range(UNROLL):
                    a = tuple(a[j] + rows_v[r0 + dr, pl.ds(j * L, L)]
                              for j in range(DV))
                return a
            return lax.fori_loop(0, CHUNK // UNROLL, body, acc)

        acc = tuple(jnp.zeros((L,), jnp.float32) for _ in range(DV))
        for c in range(NCHUNK):
            pltpu.make_async_copy(
                table_hbm.at[idx_v.at[pl.ds(c * CHUNK, CHUNK)]],
                rows[c], sems[c]).wait()
            acc = accum_chunk(rows[c], acc)
        for j in range(DV):
            acc_v[0, pl.ds(j * L, L)] = acc[j]
        pltpu.sync_copy(acc_v, partial_out.at[pl.ds(wid, 1)])

        @pl.when(wid == CAND_TILE)
        def _():
            pltpu.make_async_copy(table_hbm.at[eidx_v], erows_v, sem_e).wait()
            pltpu.sync_copy(erows_v, extra_out.at[pl.ds(0, NUM_CAND)])

        @pl.when(wid == TARG_TILE)
        def _():
            pltpu.make_async_copy(table_hbm.at[tidx_v], trow_v, sem_e).wait()
            pltpu.sync_copy(trow_v, extra_out.at[pl.ds(NUM_CAND, 1)])

    return k(hex_embed, path_ids, candidate_ids, target_id)


def _dense_body(part_ref, ext_ref, wp_ref, bp_ref, wt_ref, bt_ref,
                wo_ref, bo_ref, out_ref):
    path_mean = jnp.sum(part_ref[...], axis=0, keepdims=True) * (1.0 / PATH_LEN)
    dn = (((1,), (1,)), ((), ()))
    combined = (
        lax.dot_general(path_mean, wp_ref[...], dn)
        + lax.dot_general(ext_ref[NUM_CAND:NUM_CAND + 1, :], wt_ref[...], dn)
        + bp_ref[...][None, :] + bt_ref[...][None, :])
    h = jnp.maximum(ext_ref[0:NUM_CAND, :] + combined, 0.0)
    scores = jnp.sum(h * wo_ref[...], axis=1) + bo_ref[...]
    m = jnp.max(scores)
    e = jnp.exp(scores - m)
    out_ref[...] = e * (1.0 / jnp.sum(e))


def _tc_dense(partials, extras, Wp, bp, Wt, bt, Wo, bo):
    return pl.pallas_call(
        _dense_body,
        out_shape=jax.ShapeDtypeStruct((NUM_CAND,), jnp.float32),
    )(partials, extras, Wp, bp, Wt, bt, Wo, bo)


def kernel(path_ids, target_id, candidate_ids, hex_embed, Wp, bp, Wt, bt, Wo, bo):
    partials, extras = _sc_gather(hex_embed, path_ids, candidate_ids, target_id)
    return _tc_dense(partials, extras, Wp, bp, Wt, bt, Wo, bo)

# --- scband reference (transcript-rebuilt; emitter-appended) ---
"""Pipeline reference for scband-manueverability-first-layer-map-tensor-41102837023442 (READ-ONLY COPY).

The authoritative reference and input builder live on the scoring server;
editing this copy changes nothing except your own understanding.
"""

import jax, jax.numpy as jnp
import numpy as np

VOCAB = 10000
D = 128
PATH_LEN = 4096
NUM_CAND = 64


def setup_inputs(seed: int = 0) -> dict:
    key = jax.random.key(seed)
    ks = jax.random.split(key, 10)
    path_ids = jax.random.randint(ks[0], (PATH_LEN,), 0, VOCAB, dtype=jnp.int64 if jax.config.jax_enable_x64 else jnp.int32).astype(jnp.int32)
    target_id = jax.random.randint(ks[1], (1,), 0, VOCAB).astype(jnp.int32)
    candidate_ids = jax.random.randint(ks[2], (NUM_CAND,), 0, VOCAB).astype(jnp.int32)
    hex_embed = jax.random.normal(ks[3], (VOCAB, D), dtype=jnp.float32) * 0.02
    Wp = jax.random.normal(ks[4], (D, D), dtype=jnp.float32) * (1.0 / np.sqrt(D))
    bp = jnp.zeros((D,), dtype=jnp.float32)
    Wt = jax.random.normal(ks[5], (D, D), dtype=jnp.float32) * (1.0 / np.sqrt(D))
    bt = jnp.zeros((D,), dtype=jnp.float32)
    Wo = jax.random.normal(ks[6], (1, D), dtype=jnp.float32) * (1.0 / np.sqrt(D))
    bo = jnp.zeros((1,), dtype=jnp.float32)
    return {
        "path_ids": path_ids,
        "target_id": target_id,
        "candidate_ids": candidate_ids,
        "hex_embed": hex_embed,
        "Wp": Wp, "bp": bp,
        "Wt": Wt, "bt": bt,
        "Wo": Wo, "bo": bo,
    }


def reference(path_ids, target_id, candidate_ids, hex_embed, Wp, bp, Wt, bt, Wo, bo):
    # path_embed = mean over path of embedding gathers
    path_embed = jnp.take(hex_embed, path_ids, axis=0).mean(axis=0)          # [D]
    # target embedding (squeeze the singleton dim like .squeeze(0))
    target_embed = jnp.take(hex_embed, target_id, axis=0)[0]                  # [D]
    # combined_context = linear_path(path_embed) + linear_target(target_embed)
    combined_context = (path_embed @ Wp.T + bp) + (target_embed @ Wt.T + bt)  # [D]
    # candidate embeddings (stand-in for mcg neighbor lookup, ids given as tensor)
    candidate_embeds = jnp.take(hex_embed, candidate_ids, axis=0)             # [C, D]
    scores = jax.nn.relu(candidate_embeds + combined_context[None, :]) @ Wo.T + bo  # [C, 1]
    probs = jax.nn.softmax(scores.squeeze(1), axis=0)                          # [C]
    return probs

if __name__ == "__main__":
    import jax
    _d = setup_inputs()
    print(jax.jit(kernel)(*tuple(_d.values())))

</pallas_src>

<mosaic_0001>
#map = affine_map<(d0, d1) -> (0, 0)>
#map1 = affine_map<(d0, d1) -> (0)>
module attributes {stable_mosaic.version = 14 : i64} {
  func.func @k(%arg0: i32, %arg1: i32, %arg2: memref<10000x128xf32, #tpu.memory_space<hbm>>, %arg3: memref<4096xi32, #tpu.memory_space<hbm>>, %arg4: memref<64xi32, #tpu.memory_space<hbm>>, %arg5: memref<1xi32, #tpu.memory_space<hbm>>, %arg6: memref<32x128xf32, #tpu.memory_space<hbm>>, %arg7: memref<65x128xf32, #tpu.memory_space<hbm>>, %arg8: memref<128xi32, #tpu.memory_space<vmem>>, %arg9: memref<64x128xf32, #tpu.memory_space<vmem>>, %arg10: memref<64x128xf32, #tpu.memory_space<vmem>>, %arg11: memref<1x128xf32, #tpu.memory_space<vmem>>, %arg12: memref<64xi32, #tpu.memory_space<vmem>>, %arg13: memref<64x128xf32, #tpu.memory_space<vmem>>, %arg14: memref<1xi32, #tpu.memory_space<vmem>>, %arg15: memref<1x128xf32, #tpu.memory_space<vmem>>, %arg16: memref<!tpu.dma_semaphore, #tpu.memory_space<semaphore_mem>>, %arg17: memref<!tpu.dma_semaphore, #tpu.memory_space<semaphore_mem>>, %arg18: memref<!tpu.dma_semaphore, #tpu.memory_space<semaphore_mem>>) attributes {dimension_semantics = [#tpu.dimension_semantics<core_parallel>, #tpu.dimension_semantics<subcore_parallel>], iteration_bounds = array<i64: 2, 16>, scalar_prefetch = 0 : i64, scratch_operands = 11 : i64, tpu.core_type = #tpu.core_type<sc_vector_subcore>, window_params = [{transform_indices = #map}, {transform_indices = #map1}, {transform_indices = #map1}, {transform_indices = #map1}, {transform_indices = #map}, {transform_indices = #map}]} {
    %mul3A = arith.constant 2 : i32
    %mul3A_0 = arith.muli %arg1, %mul3A : i32
    %add3A = arith.addi %mul3A_0, %arg0 : i32
    %mul3A_1 = arith.constant 128 : i32
    %mul3A_2 = arith.muli %add3A, %mul3A_1 : i32
    "tpu.region"() ({
      %run_scoped3A = tpu.sem_alloc : memref<!tpu.dma_semaphore, #tpu.memory_space<semaphore_mem>>
      %dma_start3A_111 = tpu.memref_slice %arg3[%mul3A_2] : memref<4096xi32, #tpu.memory_space<hbm>> -> memref<128xi32, #tpu.memory_space<hbm>>
      %dma_start3A_112 = tpu.memref_slice %arg3[%mul3A_2] : memref<4096xi32, #tpu.memory_space<hbm>> -> memref<128xi32, #tpu.memory_space<hbm>>
      tpu.enqueue_dma source(%dma_start3A_112 : memref<128xi32, #tpu.memory_space<hbm>>) target(%arg8 : memref<128xi32, #tpu.memory_space<vmem>>) target_semaphore(%run_scoped3A : memref<!tpu.dma_semaphore, #tpu.memory_space<semaphore_mem>>)
      %dma_wait3A_113 = tpu.memref_slice %arg3[%mul3A_2] : memref<4096xi32, #tpu.memory_space<hbm>> -> memref<128xi32, #tpu.memory_space<hbm>>
      %dma_wait3A_114 = tpu.memref_slice %arg3[%mul3A_2] : memref<4096xi32, #tpu.memory_space<hbm>> -> memref<128xi32, #tpu.memory_space<hbm>>
      tpu.wait_dma2 semaphore(%run_scoped3A : memref<!tpu.dma_semaphore, #tpu.memory_space<semaphore_mem>>) src(%dma_wait3A_114 : memref<128xi32, #tpu.memory_space<hbm>>) dst(%arg8 : memref<128xi32, #tpu.memory_space<vmem>>)
      tpu.yield
    }) : () -> ()
    %dma_start3A = arith.constant 0 : i32
    %dma_start3A_3 = tpu.memref_slice %arg8[%dma_start3A] : memref<128xi32, #tpu.memory_space<vmem>> -> memref<64xi32, #tpu.memory_space<vmem>>
    %dma_start3A_4 = arith.constant 0 : i32
    %dma_start3A_5 = arith.constant 0 : i32
    %dma_start3A_6 = tpu.memref_slice %arg2[%dma_start3A_4, %dma_start3A_5] : memref<10000x128xf32, #tpu.memory_space<hbm>> -> memref<10000x128xf32, #tpu.memory_space<hbm>>
    tpu.enqueue_indirect_dma source(%dma_start3A_6 : memref<10000x128xf32, #tpu.memory_space<hbm>>) target(%arg9 : memref<64x128xf32, #tpu.memory_space<vmem>>) offsets(%dma_start3A_3 : memref<64xi32, #tpu.memory_space<vmem>>) semaphore(%arg16 : memref<!tpu.dma_semaphore, #tpu.memory_space<semaphore_mem>>)
    %dma_start3A_7 = arith.constant 64 : i32
    %dma_start3A_8 = tpu.memref_slice %arg8[%dma_start3A_7] : memref<128xi32, #tpu.memory_space<vmem>> -> memref<64xi32, #tpu.memory_space<vmem>>
    %dma_start3A_9 = arith.constant 0 : i32
    %dma_start3A_10 = arith.constant 0 : i32
    %dma_start3A_11 = tpu.memref_slice %arg2[%dma_start3A_9, %dma_start3A_10] : memref<10000x128xf32, #tpu.memory_space<hbm>> -> memref<10000x128xf32, #tpu.memory_space<hbm>>
    tpu.enqueue_indirect_dma source(%dma_start3A_11 : memref<10000x128xf32, #tpu.memory_space<hbm>>) target(%arg10 : memref<64x128xf32, #tpu.memory_space<vmem>>) offsets(%dma_start3A_8 : memref<64xi32, #tpu.memory_space<vmem>>) semaphore(%arg17 : memref<!tpu.dma_semaphore, #tpu.memory_space<semaphore_mem>>)
    %eq3A = arith.constant 1 : i32
    %eq3A_12 = arith.cmpi eq, %add3A, %eq3A : i32
    %convert_element_type3A = arith.extui %eq3A_12 : i1 to i32
    %cond3A = arith.constant 0 : i32
    %cond3A_13 = arith.cmpi ne, %convert_element_type3A, %cond3A : i32
    scf.if %cond3A_13 {
      "tpu.region"() ({
        %run_scoped3A = tpu.sem_alloc : memref<!tpu.dma_semaphore, #tpu.memory_space<semaphore_mem>>
        tpu.enqueue_dma source(%arg4 : memref<64xi32, #tpu.memory_space<hbm>>) target(%arg12 : memref<64xi32, #tpu.memory_space<vmem>>) target_semaphore(%run_scoped3A : memref<!tpu.dma_semaphore, #tpu.memory_space<semaphore_mem>>)
        tpu.wait_dma2 semaphore(%run_scoped3A : memref<!tpu.dma_semaphore, #tpu.memory_space<semaphore_mem>>) src(%arg4 : memref<64xi32, #tpu.memory_space<hbm>>) dst(%arg12 : memref<64xi32, #tpu.memory_space<vmem>>)
        tpu.yield
      }) : () -> ()
      %dma_start3A_111 = arith.constant 0 : i32
      %dma_start3A_112 = arith.constant 0 : i32
      %dma_start3A_113 = tpu.memref_slice %arg2[%dma_start3A_111, %dma_start3A_112] : memref<10000x128xf32, #tpu.memory_space<hbm>> -> memref<10000x128xf32, #tpu.memory_space<hbm>>
      tpu.enqueue_indirect_dma source(%dma_start3A_113 : memref<10000x128xf32, #tpu.memory_space<hbm>>) target(%arg13 : memref<64x128xf32, #tpu.memory_space<vmem>>) offsets(%arg12 : memref<64xi32, #tpu.memory_space<vmem>>) semaphore(%arg18 : memref<!tpu.dma_semaphore, #tpu.memory_space<semaphore_mem>>)
    } else {
    }
    %eq3A_14 = arith.constant 3 : i32
    %eq3A_15 = arith.cmpi eq, %add3A, %eq3A_14 : i32
    %convert_element_type3A_16 = arith.extui %eq3A_15 : i1 to i32
    %cond3A_17 = arith.constant 0 : i32
    %cond3A_18 = arith.cmpi ne, %convert_element_type3A_16, %cond3A_17 : i32
    scf.if %cond3A_18 {
      "tpu.region"() ({
        %run_scoped3A = tpu.sem_alloc : memref<!tpu.dma_semaphore, #tpu.memory_space<semaphore_mem>>
        tpu.enqueue_dma source(%arg5 : memref<1xi32, #tpu.memory_space<hbm>>) target(%arg14 : memref<1xi32, #tpu.memory_space<vmem>>) target_semaphore(%run_scoped3A : memref<!tpu.dma_semaphore, #tpu.memory_space<semaphore_mem>>)
        tpu.wait_dma2 semaphore(%run_scoped3A : memref<!tpu.dma_semaphore, #tpu.memory_space<semaphore_mem>>) src(%arg5 : memref<1xi32, #tpu.memory_space<hbm>>) dst(%arg14 : memref<1xi32, #tpu.memory_space<vmem>>)
        tpu.yield
      }) : () -> ()
      %dma_start3A_111 = arith.constant 0 : i32
      %dma_start3A_112 = arith.constant 0 : i32
      %dma_start3A_113 = tpu.memref_slice %arg2[%dma_start3A_111, %dma_start3A_112] : memref<10000x128xf32, #tpu.memory_space<hbm>> -> memref<10000x128xf32, #tpu.memory_space<hbm>>
      tpu.enqueue_indirect_dma source(%dma_start3A_113 : memref<10000x128xf32, #tpu.memory_space<hbm>>) target(%arg15 : memref<1x128xf32, #tpu.memory_space<vmem>>) offsets(%arg14 : memref<1xi32, #tpu.memory_space<vmem>>) semaphore(%arg18 : memref<!tpu.dma_semaphore, #tpu.memory_space<semaphore_mem>>)
    } else {
    }
    %broadcast_in_dim3A = arith.constant 0.000000e+00 : f32
    %broadcast_in_dim3A_19 = vector.broadcast %broadcast_in_dim3A : f32 to vector<16xf32>
    %broadcast_in_dim3A_20 = arith.constant 0.000000e+00 : f32
    %broadcast_in_dim3A_21 = vector.broadcast %broadcast_in_dim3A_20 : f32 to vector<16xf32>
    %broadcast_in_dim3A_22 = arith.constant 0.000000e+00 : f32
    %broadcast_in_dim3A_23 = vector.broadcast %broadcast_in_dim3A_22 : f32 to vector<16xf32>
    %broadcast_in_dim3A_24 = arith.constant 0.000000e+00 : f32
    %broadcast_in_dim3A_25 = vector.broadcast %broadcast_in_dim3A_24 : f32 to vector<16xf32>
    %broadcast_in_dim3A_26 = arith.constant 0.000000e+00 : f32
    %broadcast_in_dim3A_27 = vector.broadcast %broadcast_in_dim3A_26 : f32 to vector<16xf32>
    %broadcast_in_dim3A_28 = arith.constant 0.000000e+00 : f32
    %broadcast_in_dim3A_29 = vector.broadcast %broadcast_in_dim3A_28 : f32 to vector<16xf32>
    %broadcast_in_dim3A_30 = arith.constant 0.000000e+00 : f32
    %broadcast_in_dim3A_31 = vector.broadcast %broadcast_in_dim3A_30 : f32 to vector<16xf32>
    %broadcast_in_dim3A_32 = arith.constant 0.000000e+00 : f32
    %broadcast_in_dim3A_33 = vector.broadcast %broadcast_in_dim3A_32 : f32 to vector<16xf32>
    %dma_wait3A = arith.constant 0 : i32
    %dma_wait3A_34 = tpu.memref_slice %arg8[%dma_wait3A] : memref<128xi32, #tpu.memory_space<vmem>> -> memref<64xi32, #tpu.memory_space<vmem>>
    %dma_wait3A_35 = arith.constant 0 : i32
    %dma_wait3A_36 = arith.constant 0 : i32
    %dma_wait3A_37 = tpu.memref_slice %arg2[%dma_wait3A_35, %dma_wait3A_36] : memref<10000x128xf32, #tpu.memory_space<hbm>> -> memref<10000x128xf32, #tpu.memory_space<hbm>>
    tpu.wait_indirect_dma semaphore(%arg16 : memref<!tpu.dma_semaphore, #tpu.memory_space<semaphore_mem>>) src(%dma_wait3A_37 : memref<10000x128xf32, #tpu.memory_space<hbm>>) dst(%arg9 : memref<64x128xf32, #tpu.memory_space<vmem>>)
    %scan3A = arith.constant 0 : i32
    %scan3A_38 = arith.constant 32 : i32
    %scan3A_39 = arith.addi %scan3A, %scan3A_38 : i32
    %scan3A_40 = arith.constant 1 : i32
    %scan3A_41:8 = scf.for %scan3A_111 = %scan3A to %scan3A_39 step %scan3A_40 iter_args(%scan3A_112 = %broadcast_in_dim3A_19, %scan3A_113 = %broadcast_in_dim3A_21, %scan3A_114 = %broadcast_in_dim3A_23, %scan3A_115 = %broadcast_in_dim3A_25, %scan3A_116 = %broadcast_in_dim3A_27, %scan3A_117 = %broadcast_in_dim3A_29, %scan3A_118 = %broadcast_in_dim3A_31, %scan3A_119 = %broadcast_in_dim3A_33) -> (vector<16xf32>, vector<16xf32>, vector<16xf32>, vector<16xf32>, vector<16xf32>, vector<16xf32>, vector<16xf32>, vector<16xf32>)  : i32 {
      %mul3A_120 = arith.constant 2 : i32
      %mul3A_121 = arith.muli %scan3A_111, %mul3A_120 : i32
      %add3A_122 = arith.constant 0 : i32
      %add3A_123 = arith.addi %mul3A_121, %add3A_122 : i32
      %get3A = arith.index_cast %add3A_123 : i32 to index
      %get3A_124 = arith.constant 0 : index
      %get3A_125 = tpu.vector_load %arg9[%get3A, %get3A_124] {strides = array<i32>} : memref<64x128xf32, #tpu.memory_space<vmem>>, vector<1x16xf32>,
      %get3A_126 = vector.shape_cast %get3A_125 : vector<1x16xf32> to vector<16xf32>
      %add3A_127 = arith.addf %scan3A_112, %get3A_126 : vector<16xf32>
      %add3A_128 = arith.constant 0 : i32
      %add3A_129 = arith.addi %mul3A_121, %add3A_128 : i32
      %get3A_130 = arith.index_cast %add3A_129 : i32 to index
      %get3A_131 = arith.constant 16 : index
      %get3A_132 = tpu.vector_load %arg9[%get3A_130, %get3A_131] {strides = array<i32>} : memref<64x128xf32, #tpu.memory_space<vmem>>, vector<1x16xf32>,
      %get3A_133 = vector.shape_cast %get3A_132 : vector<1x16xf32> to vector<16xf32>
      %add3A_134 = arith.addf %scan3A_113, %get3A_133 : vector<16xf32>
      %add3A_135 = arith.constant 0 : i32
      %add3A_136 = arith.addi %mul3A_121, %add3A_135 : i32
      %get3A_137 = arith.index_cast %add3A_136 : i32 to index
      %get3A_138 = arith.constant 32 : index
      %get3A_139 = tpu.vector_load %arg9[%get3A_137, %get3A_138] {strides = array<i32>} : memref<64x128xf32, #tpu.memory_space<vmem>>, vector<1x16xf32>,
      %get3A_140 = vector.shape_cast %get3A_139 : vector<1x16xf32> to vector<16xf32>
      %add3A_141 = arith.addf %scan3A_114, %get3A_140 : vector<16xf32>
      %add3A_142 = arith.constant 0 : i32
      %add3A_143 = arith.addi %mul3A_121, %add3A_142 : i32
      %get3A_144 = arith.index_cast %add3A_143 : i32 to index
      %get3A_145 = arith.constant 48 : index
      %get3A_146 = tpu.vector_load %arg9[%get3A_144, %get3A_145] {strides = array<i32>} : memref<64x128xf32, #tpu.memory_space<vmem>>, vector<1x16xf32>,
      %get3A_147 = vector.shape_cast %get3A_146 : vector<1x16xf32> to vector<16xf32>
      %add3A_148 = arith.addf %scan3A_115, %get3A_147 : vector<16xf32>
      %add3A_149 = arith.constant 0 : i32
      %add3A_150 = arith.addi %mul3A_121, %add3A_149 : i32
      %get3A_151 = arith.index_cast %add3A_150 : i32 to index
      %get3A_152 = arith.constant 64 : index
      %get3A_153 = tpu.vector_load %arg9[%get3A_151, %get3A_152] {strides = array<i32>} : memref<64x128xf32, #tpu.memory_space<vmem>>, vector<1x16xf32>,
      %get3A_154 = vector.shape_cast %get3A_153 : vector<1x16xf32> to vector<16xf32>
      %add3A_155 = arith.addf %scan3A_116, %get3A_154 : vector<16xf32>
      %add3A_156 = arith.constant 0 : i32
      %add3A_157 = arith.addi %mul3A_121, %add3A_156 : i32
      %get3A_158 = arith.index_cast %add3A_157 : i32 to index
      %get3A_159 = arith.constant 80 : index
      %get3A_160 = tpu.vector_load %arg9[%get3A_158, %get3A_159] {strides = array<i32>} : memref<64x128xf32, #tpu.memory_space<vmem>>, vector<1x16xf32>,
      %get3A_161 = vector.shape_cast %get3A_160 : vector<1x16xf32> to vector<16xf32>
      %add3A_162 = arith.addf %scan3A_117, %get3A_161 : vector<16xf32>
      %add3A_163 = arith.constant 0 : i32
      %add3A_164 = arith.addi %mul3A_121, %add3A_163 : i32
      %get3A_165 = arith.index_cast %add3A_164 : i32 to index
      %get3A_166 = arith.constant 96 : index
      %get3A_167 = tpu.vector_load %arg9[%get3A_165, %get3A_166] {strides = array<i32>} : memref<64x128xf32, #tpu.memory_space<vmem>>, vector<1x16xf32>,
      %get3A_168 = vector.shape_cast %get3A_167 : vector<1x16xf32> to vector<16xf32>
      %add3A_169 = arith.addf %scan3A_118, %get3A_168 : vector<16xf32>
      %add3A_170 = arith.constant 0 : i32
      %add3A_171 = arith.addi %mul3A_121, %add3A_170 : i32
      %get3A_172 = arith.index_cast %add3A_171 : i32 to index
      %get3A_173 = arith.constant 112 : index
      %get3A_174 = tpu.vector_load %arg9[%get3A_172, %get3A_173] {strides = array<i32>} : memref<64x128xf32, #tpu.memory_space<vmem>>, vector<1x16xf32>,
      %get3A_175 = vector.shape_cast %get3A_174 : vector<1x16xf32> to vector<16xf32>
      %add3A_176 = arith.addf %scan3A_119, %get3A_175 : vector<16xf32>
      %add3A_177 = arith.constant 1 : i32
      %add3A_178 = arith.addi %mul3A_121, %add3A_177 : i32
      %get3A_179 = arith.index_cast %add3A_178 : i32 to index
      %get3A_180 = arith.constant 0 : index
      %get3A_181 = tpu.vector_load %arg9[%get3A_179, %get3A_180] {strides = array<i32>} : memref<64x128xf32, #tpu.memory_space<vmem>>, vector<1x16xf32>,
      %get3A_182 = vector.shape_cast %get3A_181 : vector<1x16xf32> to vector<16xf32>
      %add3A_183 = arith.addf %add3A_127, %get3A_182 : vector<16xf32>
      %add3A_184 = arith.constant 1 : i32
      %add3A_185 = arith.addi %mul3A_121, %add3A_184 : i32
      %get3A_186 = arith.index_cast %add3A_185 : i32 to index
      %get3A_187 = arith.constant 16 : index
      %get3A_188 = tpu.vector_load %arg9[%get3A_186, %get3A_187] {strides = array<i32>} : memref<64x128xf32, #tpu.memory_space<vmem>>, vector<1x16xf32>,
      %get3A_189 = vector.shape_cast %get3A_188 : vector<1x16xf32> to vector<16xf32>
      %add3A_190 = arith.addf %add3A_134, %get3A_189 : vector<16xf32>
      %add3A_191 = arith.constant 1 : i32
      %add3A_192 = arith.addi %mul3A_121, %add3A_191 : i32
      %get3A_193 = arith.index_cast %add3A_192 : i32 to index
      %get3A_194 = arith.constant 32 : index
      %get3A_195 = tpu.vector_load %arg9[%get3A_193, %get3A_194] {strides = array<i32>} : memref<64x128xf32, #tpu.memory_space<vmem>>, vector<1x16xf32>,
      %get3A_196 = vector.shape_cast %get3A_195 : vector<1x16xf32> to vector<16xf32>
      %add3A_197 = arith.addf %add3A_141, %get3A_196 : vector<16xf32>
      %add3A_198 = arith.constant 1 : i32
      %add3A_199 = arith.addi %mul3A_121, %add3A_198 : i32
      %get3A_200 = arith.index_cast %add3A_199 : i32 to index
      %get3A_201 = arith.constant 48 : index
      %get3A_202 = tpu.vector_load %arg9[%get3A_200, %get3A_201] {strides = array<i32>} : memref<64x128xf32, #tpu.memory_space<vmem>>, vector<1x16xf32>,
      %get3A_203 = vector.shape_cast %get3A_202 : vector<1x16xf32> to vector<16xf32>
      %add3A_204 = arith.addf %add3A_148, %get3A_203 : vector<16xf32>
      %add3A_205 = arith.constant 1 : i32
      %add3A_206 = arith.addi %mul3A_121, %add3A_205 : i32
      %get3A_207 = arith.index_cast %add3A_206 : i32 to index
      %get3A_208 = arith.constant 64 : index
      %get3A_209 = tpu.vector_load %arg9[%get3A_207, %get3A_208] {strides = array<i32>} : memref<64x128xf32, #tpu.memory_space<vmem>>, vector<1x16xf32>,
      %get3A_210 = vector.shape_cast %get3A_209 : vector<1x16xf32> to vector<16xf32>
      %add3A_211 = arith.addf %add3A_155, %get3A_210 : vector<16xf32>
      %add3A_212 = arith.constant 1 : i32
      %add3A_213 = arith.addi %mul3A_121, %add3A_212 : i32
      %get3A_214 = arith.index_cast %add3A_213 : i32 to index
      %get3A_215 = arith.constant 80 : index
      %get3A_216 = tpu.vector_load %arg9[%get3A_214, %get3A_215] {strides = array<i32>} : memref<64x128xf32, #tpu.memory_space<vmem>>, vector<1x16xf32>,
      %get3A_217 = vector.shape_cast %get3A_216 : vector<1x16xf32> to vector<16xf32>
      %add3A_218 = arith.addf %add3A_162, %get3A_217 : vector<16xf32>
      %add3A_219 = arith.constant 1 : i32
      %add3A_220 = arith.addi %mul3A_121, %add3A_219 : i32
      %get3A_221 = arith.index_cast %add3A_220 : i32 to index
      %get3A_222 = arith.constant 96 : index
      %get3A_223 = tpu.vector_load %arg9[%get3A_221, %get3A_222] {strides = array<i32>} : memref<64x128xf32, #tpu.memory_space<vmem>>, vector<1x16xf32>,
      %get3A_224 = vector.shape_cast %get3A_223 : vector<1x16xf32> to vector<16xf32>
      %add3A_225 = arith.addf %add3A_169, %get3A_224 : vector<16xf32>
      %add3A_226 = arith.constant 1 : i32
      %add3A_227 = arith.addi %mul3A_121, %add3A_226 : i32
      %get3A_228 = arith.index_cast %add3A_227 : i32 to index
      %get3A_229 = arith.constant 112 : index
      %get3A_230 = tpu.vector_load %arg9[%get3A_228, %get3A_229] {strides = array<i32>} : memref<64x128xf32, #tpu.memory_space<vmem>>, vector<1x16xf32>,
      %get3A_231 = vector.shape_cast %get3A_230 : vector<1x16xf32> to vector<16xf32>
      %add3A_232 = arith.addf %add3A_176, %get3A_231 : vector<16xf32>
      scf.yield %add3A_183, %add3A_190, %add3A_197, %add3A_204, %add3A_211, %add3A_218, %add3A_225, %add3A_232 : vector<16xf32>, vector<16xf32>, vector<16xf32>, vector<16xf32>, vector<16xf32>, vector<16xf32>, vector<16xf32>, vector<16xf32>
    }
    %scan3A_42 = arith.constant 32 : i32
    %dma_wait3A_43 = arith.constant 64 : i32
    %dma_wait3A_44 = tpu.memref_slice %arg8[%dma_wait3A_43] : memref<128xi32, #tpu.memory_space<vmem>> -> memref<64xi32, #tpu.memory_space<vmem>>
    %dma_wait3A_45 = arith.constant 0 : i32
    %dma_wait3A_46 = arith.constant 0 : i32
    %dma_wait3A_47 = tpu.memref_slice %arg2[%dma_wait3A_45, %dma_wait3A_46] : memref<10000x128xf32, #tpu.memory_space<hbm>> -> memref<10000x128xf32, #tpu.memory_space<hbm>>
    tpu.wait_indirect_dma semaphore(%arg17 : memref<!tpu.dma_semaphore, #tpu.memory_space<semaphore_mem>>) src(%dma_wait3A_47 : memref<10000x128xf32, #tpu.memory_space<hbm>>) dst(%arg10 : memref<64x128xf32, #tpu.memory_space<vmem>>)
    %scan3A_48 = arith.constant 0 : i32
    %scan3A_49 = arith.constant 32 : i32
    %scan3A_50 = arith.addi %scan3A_48, %scan3A_49 : i32
    %scan3A_51 = arith.constant 1 : i32
    %scan3A_52:8 = scf.for %scan3A_111 = %scan3A_48 to %scan3A_50 step %scan3A_51 iter_args(%scan3A_112 = %scan3A_41#0, %scan3A_113 = %scan3A_41#1, %scan3A_114 = %scan3A_41#2, %scan3A_115 = %scan3A_41#3, %scan3A_116 = %scan3A_41#4, %scan3A_117 = %scan3A_41#5, %scan3A_118 = %scan3A_41#6, %scan3A_119 = %scan3A_41#7) -> (vector<16xf32>, vector<16xf32>, vector<16xf32>, vector<16xf32>, vector<16xf32>, vector<16xf32>, vector<16xf32>, vector<16xf32>)  : i32 {
      %mul3A_120 = arith.constant 2 : i32
      %mul3A_121 = arith.muli %scan3A_111, %mul3A_120 : i32
      %add3A_122 = arith.constant 0 : i32
      %add3A_123 = arith.addi %mul3A_121, %add3A_122 : i32
      %get3A = arith.index_cast %add3A_123 : i32 to index
      %get3A_124 = arith.constant 0 : index
      %get3A_125 = tpu.vector_load %arg10[%get3A, %get3A_124] {strides = array<i32>} : memref<64x128xf32, #tpu.memory_space<vmem>>, vector<1x16xf32>,
      %get3A_126 = vector.shape_cast %get3A_125 : vector<1x16xf32> to vector<16xf32>
      %add3A_127 = arith.addf %scan3A_112, %get3A_126 : vector<16xf32>
      %add3A_128 = arith.constant 0 : i32
      %add3A_129 = arith.addi %mul3A_121, %add3A_128 : i32
      %get3A_130 = arith.index_cast %add3A_129 : i32 to index
      %get3A_131 = arith.constant 16 : index
      %get3A_132 = tpu.vector_load %arg10[%get3A_130, %get3A_131] {strides = array<i32>} : memref<64x128xf32, #tpu.memory_space<vmem>>, vector<1x16xf32>,
      %get3A_133 = vector.shape_cast %get3A_132 : vector<1x16xf32> to vector<16xf32>
      %add3A_134 = arith.addf %scan3A_113, %get3A_133 : vector<16xf32>
      %add3A_135 = arith.constant 0 : i32
      %add3A_136 = arith.addi %mul3A_121, %add3A_135 : i32
      %get3A_137 = arith.index_cast %add3A_136 : i32 to index
      %get3A_138 = arith.constant 32 : index
      %get3A_139 = tpu.vector_load %arg10[%get3A_137, %get3A_138] {strides = array<i32>} : memref<64x128xf32, #tpu.memory_space<vmem>>, vector<1x16xf32>,
      %get3A_140 = vector.shape_cast %get3A_139 : vector<1x16xf32> to vector<16xf32>
      %add3A_141 = arith.addf %scan3A_114, %get3A_140 : vector<16xf32>
      %add3A_142 = arith.constant 0 : i32
      %add3A_143 = arith.addi %mul3A_121, %add3A_142 : i32
      %get3A_144 = arith.index_cast %add3A_143 : i32 to index
      %get3A_145 = arith.constant 48 : index
      %get3A_146 = tpu.vector_load %arg10[%get3A_144, %get3A_145] {strides = array<i32>} : memref<64x128xf32, #tpu.memory_space<vmem>>, vector<1x16xf32>,
      %get3A_147 = vector.shape_cast %get3A_146 : vector<1x16xf32> to vector<16xf32>
      %add3A_148 = arith.addf %scan3A_115, %get3A_147 : vector<16xf32>
      %add3A_149 = arith.constant 0 : i32
      %add3A_150 = arith.addi %mul3A_121, %add3A_149 : i32
      %get3A_151 = arith.index_cast %add3A_150 : i32 to index
      %get3A_152 = arith.constant 64 : index
      %get3A_153 = tpu.vector_load %arg10[%get3A_151, %get3A_152] {strides = array<i32>} : memref<64x128xf32, #tpu.memory_space<vmem>>, vector<1x16xf32>,
      %get3A_154 = vector.shape_cast %get3A_153 : vector<1x16xf32> to vector<16xf32>
      %add3A_155 = arith.addf %scan3A_116, %get3A_154 : vector<16xf32>
      %add3A_156 = arith.constant 0 : i32
      %add3A_157 = arith.addi %mul3A_121, %add3A_156 : i32
      %get3A_158 = arith.index_cast %add3A_157 : i32 to index
      %get3A_159 = arith.constant 80 : index
      %get3A_160 = tpu.vector_load %arg10[%get3A_158, %get3A_159] {strides = array<i32>} : memref<64x128xf32, #tpu.memory_space<vmem>>, vector<1x16xf32>,
      %get3A_161 = vector.shape_cast %get3A_160 : vector<1x16xf32> to vector<16xf32>
      %add3A_162 = arith.addf %scan3A_117, %get3A_161 : vector<16xf32>
      %add3A_163 = arith.constant 0 : i32
      %add3A_164 = arith.addi %mul3A_121, %add3A_163 : i32
      %get3A_165 = arith.index_cast %add3A_164 : i32 to index
      %get3A_166 = arith.constant 96 : index
      %get3A_167 = tpu.vector_load %arg10[%get3A_165, %get3A_166] {strides = array<i32>} : memref<64x128xf32, #tpu.memory_space<vmem>>, vector<1x16xf32>,
      %get3A_168 = vector.shape_cast %get3A_167 : vector<1x16xf32> to vector<16xf32>
      %add3A_169 = arith.addf %scan3A_118, %get3A_168 : vector<16xf32>
      %add3A_170 = arith.constant 0 : i32
      %add3A_171 = arith.addi %mul3A_121, %add3A_170 : i32
      %get3A_172 = arith.index_cast %add3A_171 : i32 to index
      %get3A_173 = arith.constant 112 : index
      %get3A_174 = tpu.vector_load %arg10[%get3A_172, %get3A_173] {strides = array<i32>} : memref<64x128xf32, #tpu.memory_space<vmem>>, vector<1x16xf32>,
      %get3A_175 = vector.shape_cast %get3A_174 : vector<1x16xf32> to vector<16xf32>
      %add3A_176 = arith.addf %scan3A_119, %get3A_175 : vector<16xf32>
      %add3A_177 = arith.constant 1 : i32
      %add3A_178 = arith.addi %mul3A_121, %add3A_177 : i32
      %get3A_179 = arith.index_cast %add3A_178 : i32 to index
      %get3A_180 = arith.constant 0 : index
      %get3A_181 = tpu.vector_load %arg10[%get3A_179, %get3A_180] {strides = array<i32>} : memref<64x128xf32, #tpu.memory_space<vmem>>, vector<1x16xf32>,
      %get3A_182 = vector.shape_cast %get3A_181 : vector<1x16xf32> to vector<16xf32>
      %add3A_183 = arith.addf %add3A_127, %get3A_182 : vector<16xf32>
      %add3A_184 = arith.constant 1 : i32
      %add3A_185 = arith.addi %mul3A_121, %add3A_184 : i32
      %get3A_186 = arith.index_cast %add3A_185 : i32 to index
      %get3A_187 = arith.constant 16 : index
      %get3A_188 = tpu.vector_load %arg10[%get3A_186, %get3A_187] {strides = array<i32>} : memref<64x128xf32, #tpu.memory_space<vmem>>, vector<1x16xf32>,
      %get3A_189 = vector.shape_cast %get3A_188 : vector<1x16xf32> to vector<16xf32>
      %add3A_190 = arith.addf %add3A_134, %get3A_189 : vector<16xf32>
      %add3A_191 = arith.constant 1 : i32
      %add3A_192 = arith.addi %mul3A_121, %add3A_191 : i32
      %get3A_193 = arith.index_cast %add3A_192 : i32 to index
      %get3A_194 = arith.constant 32 : index
      %get3A_195 = tpu.vector_load %arg10[%get3A_193, %get3A_194] {strides = array<i32>} : memref<64x128xf32, #tpu.memory_space<vmem>>, vector<1x16xf32>,
      %get3A_196 = vector.shape_cast %get3A_195 : vector<1x16xf32> to vector<16xf32>
      %add3A_197 = arith.addf %add3A_141, %get3A_196 : vector<16xf32>
      %add3A_198 = arith.constant 1 : i32
      %add3A_199 = arith.addi %mul3A_121, %add3A_198 : i32
      %get3A_200 = arith.index_cast %add3A_199 : i32 to index
      %get3A_201 = arith.constant 48 : index
      %get3A_202 = tpu.vector_load %arg10[%get3A_200, %get3A_201] {strides = array<i32>} : memref<64x128xf32, #tpu.memory_space<vmem>>, vector<1x16xf32>,
      %get3A_203 = vector.shape_cast %get3A_202 : vector<1x16xf32> to vector<16xf32>
      %add3A_204 = arith.addf %add3A_148, %get3A_203 : vector<16xf32>
      %add3A_205 = arith.constant 1 : i32
      %add3A_206 = arith.addi %mul3A_121, %add3A_205 : i32
      %get3A_207 = arith.index_cast %add3A_206 : i32 to index
      %get3A_208 = arith.constant 64 : index
      %get3A_209 = tpu.vector_load %arg10[%get3A_207, %get3A_208] {strides = array<i32>} : memref<64x128xf32, #tpu.memory_space<vmem>>, vector<1x16xf32>,
      %get3A_210 = vector.shape_cast %get3A_209 : vector<1x16xf32> to vector<16xf32>
      %add3A_211 = arith.addf %add3A_155, %get3A_210 : vector<16xf32>
      %add3A_212 = arith.constant 1 : i32
      %add3A_213 = arith.addi %mul3A_121, %add3A_212 : i32
      %get3A_214 = arith.index_cast %add3A_213 : i32 to index
      %get3A_215 = arith.constant 80 : index
      %get3A_216 = tpu.vector_load %arg10[%get3A_214, %get3A_215] {strides = array<i32>} : memref<64x128xf32, #tpu.memory_space<vmem>>, vector<1x16xf32>,
      %get3A_217 = vector.shape_cast %get3A_216 : vector<1x16xf32> to vector<16xf32>
      %add3A_218 = arith.addf %add3A_162, %get3A_217 : vector<16xf32>
      %add3A_219 = arith.constant 1 : i32
      %add3A_220 = arith.addi %mul3A_121, %add3A_219 : i32
      %get3A_221 = arith.index_cast %add3A_220 : i32 to index
      %get3A_222 = arith.constant 96 : index
      %get3A_223 = tpu.vector_load %arg10[%get3A_221, %get3A_222] {strides = array<i32>} : memref<64x128xf32, #tpu.memory_space<vmem>>, vector<1x16xf32>,
      %get3A_224 = vector.shape_cast %get3A_223 : vector<1x16xf32> to vector<16xf32>
      %add3A_225 = arith.addf %add3A_169, %get3A_224 : vector<16xf32>
      %add3A_226 = arith.constant 1 : i32
      %add3A_227 = arith.addi %mul3A_121, %add3A_226 : i32
      %get3A_228 = arith.index_cast %add3A_227 : i32 to index
      %get3A_229 = arith.constant 112 : index
      %get3A_230 = tpu.vector_load %arg10[%get3A_228, %get3A_229] {strides = array<i32>} : memref<64x128xf32, #tpu.memory_space<vmem>>, vector<1x16xf32>,
      %get3A_231 = vector.shape_cast %get3A_230 : vector<1x16xf32> to vector<16xf32>
      %add3A_232 = arith.addf %add3A_176, %get3A_231 : vector<16xf32>
      scf.yield %add3A_183, %add3A_190, %add3A_197, %add3A_204, %add3A_211, %add3A_218, %add3A_225, %add3A_232 : vector<16xf32>, vector<16xf32>, vector<16xf32>, vector<16xf32>, vector<16xf32>, vector<16xf32>, vector<16xf32>, vector<16xf32>
    }
    %scan3A_53 = arith.constant 32 : i32
    %swap3A = arith.constant 0 : i32
    %swap3A_54 = arith.index_cast %swap3A : i32 to index
    %swap3A_55 = arith.constant 0 : index
    %swap3A_56 = tpu.vector_load %arg11[%swap3A_54, %swap3A_55] {strides = array<i32>} : memref<1x128xf32, #tpu.memory_space<vmem>>, vector<1x16xf32>,
    %swap3A_57 = vector.shape_cast %swap3A_56 : vector<1x16xf32> to vector<16xf32>
    %swap3A_58 = vector.shape_cast %scan3A_52#0 : vector<16xf32> to vector<1x16xf32>
    tpu.vector_store %arg11[%swap3A_54, %swap3A_55], %swap3A_58 {strides = array<i32>} : memref<1x128xf32, #tpu.memory_space<vmem>>, vector<1x16xf32>,
    %swap3A_59 = arith.constant 0 : i32
    %swap3A_60 = arith.index_cast %swap3A_59 : i32 to index
    %swap3A_61 = arith.constant 16 : index
    %swap3A_62 = tpu.vector_load %arg11[%swap3A_60, %swap3A_61] {strides = array<i32>} : memref<1x128xf32, #tpu.memory_space<vmem>>, vector<1x16xf32>,
    %swap3A_63 = vector.shape_cast %swap3A_62 : vector<1x16xf32> to vector<16xf32>
    %swap3A_64 = vector.shape_cast %scan3A_52#1 : vector<16xf32> to vector<1x16xf32>
    tpu.vector_store %arg11[%swap3A_60, %swap3A_61], %swap3A_64 {strides = array<i32>} : memref<1x128xf32, #tpu.memory_space<vmem>>, vector<1x16xf32>,
    %swap3A_65 = arith.constant 0 : i32
    %swap3A_66 = arith.index_cast %swap3A_65 : i32 to index
    %swap3A_67 = arith.constant 32 : index
    %swap3A_68 = tpu.vector_load %arg11[%swap3A_66, %swap3A_67] {strides = array<i32>} : memref<1x128xf32, #tpu.memory_space<vmem>>, vector<1x16xf32>,
    %swap3A_69 = vector.shape_cast %swap3A_68 : vector<1x16xf32> to vector<16xf32>
    %swap3A_70 = vector.shape_cast %scan3A_52#2 : vector<16xf32> to vector<1x16xf32>
    tpu.vector_store %arg11[%swap3A_66, %swap3A_67], %swap3A_70 {strides = array<i32>} : memref<1x128xf32, #tpu.memory_space<vmem>>, vector<1x16xf32>,
    %swap3A_71 = arith.constant 0 : i32
    %swap3A_72 = arith.index_cast %swap3A_71 : i32 to index
    %swap3A_73 = arith.constant 48 : index
    %swap3A_74 = tpu.vector_load %arg11[%swap3A_72, %swap3A_73] {strides = array<i32>} : memref<1x128xf32, #tpu.memory_space<vmem>>, vector<1x16xf32>,
    %swap3A_75 = vector.shape_cast %swap3A_74 : vector<1x16xf32> to vector<16xf32>
    %swap3A_76 = vector.shape_cast %scan3A_52#3 : vector<16xf32> to vector<1x16xf32>
    tpu.vector_store %arg11[%swap3A_72, %swap3A_73], %swap3A_76 {strides = array<i32>} : memref<1x128xf32, #tpu.memory_space<vmem>>, vector<1x16xf32>,
    %swap3A_77 = arith.constant 0 : i32
    %swap3A_78 = arith.index_cast %swap3A_77 : i32 to index
    %swap3A_79 = arith.constant 64 : index
    %swap3A_80 = tpu.vector_load %arg11[%swap3A_78, %swap3A_79] {strides = array<i32>} : memref<1x128xf32, #tpu.memory_space<vmem>>, vector<1x16xf32>,
    %swap3A_81 = vector.shape_cast %swap3A_80 : vector<1x16xf32> to vector<16xf32>
    %swap3A_82 = vector.shape_cast %scan3A_52#4 : vector<16xf32> to vector<1x16xf32>
    tpu.vector_store %arg11[%swap3A_78, %swap3A_79], %swap3A_82 {strides = array<i32>} : memref<1x128xf32, #tpu.memory_space<vmem>>, vector<1x16xf32>,
    %swap3A_83 = arith.constant 0 : i32
    %swap3A_84 = arith.index_cast %swap3A_83 : i32 to index
    %swap3A_85 = arith.constant 80 : index
    %swap3A_86 = tpu.vector_load %arg11[%swap3A_84, %swap3A_85] {strides = array<i32>} : memref<1x128xf32, #tpu.memory_space<vmem>>, vector<1x16xf32>,
    %swap3A_87 = vector.shape_cast %swap3A_86 : vector<1x16xf32> to vector<16xf32>
    %swap3A_88 = vector.shape_cast %scan3A_52#5 : vector<16xf32> to vector<1x16xf32>
    tpu.vector_store %arg11[%swap3A_84, %swap3A_85], %swap3A_88 {strides = array<i32>} : memref<1x128xf32, #tpu.memory_space<vmem>>, vector<1x16xf32>,
    %swap3A_89 = arith.constant 0 : i32
    %swap3A_90 = arith.index_cast %swap3A_89 : i32 to index
    %swap3A_91 = arith.constant 96 : index
    %swap3A_92 = tpu.vector_load %arg11[%swap3A_90, %swap3A_91] {strides = array<i32>} : memref<1x128xf32, #tpu.memory_space<vmem>>, vector<1x16xf32>,
    %swap3A_93 = vector.shape_cast %swap3A_92 : vector<1x16xf32> to vector<16xf32>
    %swap3A_94 = vector.shape_cast %scan3A_52#6 : vector<16xf32> to vector<1x16xf32>
    tpu.vector_store %arg11[%swap3A_90, %swap3A_91], %swap3A_94 {strides = array<i32>} : memref<1x128xf32, #tpu.memory_space<vmem>>, vector<1x16xf32>,
    %swap3A_95 = arith.constant 0 : i32
    %swap3A_96 = arith.index_cast %swap3A_95 : i32 to index
    %swap3A_97 = arith.constant 112 : index
    %swap3A_98 = tpu.vector_load %arg11[%swap3A_96, %swap3A_97] {strides = array<i32>} : memref<1x128xf32, #tpu.memory_space<vmem>>, vector<1x16xf32>,
    %swap3A_99 = vector.shape_cast %swap3A_98 : vector<1x16xf32> to vector<16xf32>
    %swap3A_100 = vector.shape_cast %scan3A_52#7 : vector<16xf32> to vector<1x16xf32>
    tpu.vector_store %arg11[%swap3A_96, %swap3A_97], %swap3A_100 {strides = array<i32>} : memref<1x128xf32, #tpu.memory_space<vmem>>, vector<1x16xf32>,
    "tpu.region"() ({
      %run_scoped3A = tpu.sem_alloc : memref<!tpu.dma_semaphore, #tpu.memory_space<semaphore_mem>>
      %dma_start3A_111 = arith.constant 0 : i32
      %dma_start3A_112 = tpu.memref_slice %arg6[%add3A, %dma_start3A_111] : memref<32x128xf32, #tpu.memory_space<hbm>> -> memref<1x128xf32, #tpu.memory_space<hbm>>
      %dma_start3A_113 = arith.constant 0 : i32
      %dma_start3A_114 = tpu.memref_slice %arg6[%add3A, %dma_start3A_113] : memref<32x128xf32, #tpu.memory_space<hbm>> -> memref<1x128xf32, #tpu.memory_space<hbm>>
      tpu.enqueue_dma source(%arg11 : memref<1x128xf32, #tpu.memory_space<vmem>>) target(%dma_start3A_114 : memref<1x128xf32, #tpu.memory_space<hbm>>) target_semaphore(%run_scoped3A : memref<!tpu.dma_semaphore, #tpu.memory_space<semaphore_mem>>)
      %dma_wait3A_115 = arith.constant 0 : i32
      %dma_wait3A_116 = tpu.memref_slice %arg6[%add3A, %dma_wait3A_115] : memref<32x128xf32, #tpu.memory_space<hbm>> -> memref<1x128xf32, #tpu.memory_space<hbm>>
      %dma_wait3A_117 = arith.constant 0 : i32
      %dma_wait3A_118 = tpu.memref_slice %arg6[%add3A, %dma_wait3A_117] : memref<32x128xf32, #tpu.memory_space<hbm>> -> memref<1x128xf32, #tpu.memory_space<hbm>>
      tpu.wait_dma2 semaphore(%run_scoped3A : memref<!tpu.dma_semaphore, #tpu.memory_space<semaphore_mem>>) src(%arg11 : memref<1x128xf32, #tpu.memory_space<vmem>>) dst(%dma_wait3A_118 : memref<1x128xf32, #tpu.memory_space<hbm>>)
      tpu.yield
    }) : () -> ()
    %eq3A_101 = arith.constant 1 : i32
    %eq3A_102 = arith.cmpi eq, %add3A, %eq3A_101 : i32
    %convert_element_type3A_103 = arith.extui %eq3A_102 : i1 to i32
    %cond3A_104 = arith.constant 0 : i32
    %cond3A_105 = arith.cmpi ne, %convert_element_type3A_103, %cond3A_104 : i32
    scf.if %cond3A_105 {
      %dma_wait3A_111 = arith.constant 0 : i32
      %dma_wait3A_112 = arith.constant 0 : i32
      %dma_wait3A_113 = tpu.memref_slice %arg2[%dma_wait3A_111, %dma_wait3A_112] : memref<10000x128xf32, #tpu.memory_space<hbm>> -> memref<10000x128xf32, #tpu.memory_space<hbm>>
      tpu.wait_indirect_dma semaphore(%arg18 : memref<!tpu.dma_semaphore, #tpu.memory_space<semaphore_mem>>) src(%dma_wait3A_113 : memref<10000x128xf32, #tpu.memory_space<hbm>>) dst(%arg13 : memref<64x128xf32, #tpu.memory_space<vmem>>)
      "tpu.region"() ({
        %run_scoped3A = tpu.sem_alloc : memref<!tpu.dma_semaphore, #tpu.memory_space<semaphore_mem>>
        %dma_start3A_114 = arith.constant 0 : i32
        %dma_start3A_115 = arith.constant 0 : i32
        %dma_start3A_116 = tpu.memref_slice %arg7[%dma_start3A_114, %dma_start3A_115] : memref<65x128xf32, #tpu.memory_space<hbm>> -> memref<64x128xf32, #tpu.memory_space<hbm>>
        %dma_start3A_117 = arith.constant 0 : i32
        %dma_start3A_118 = arith.constant 0 : i32
        %dma_start3A_119 = tpu.memref_slice %arg7[%dma_start3A_117, %dma_start3A_118] : memref<65x128xf32, #tpu.memory_space<hbm>> -> memref<64x128xf32, #tpu.memory_space<hbm>>
        tpu.enqueue_dma source(%arg13 : memref<64x128xf32, #tpu.memory_space<vmem>>) target(%dma_start3A_119 : memref<64x128xf32, #tpu.memory_space<hbm>>) target_semaphore(%run_scoped3A : memref<!tpu.dma_semaphore, #tpu.memory_space<semaphore_mem>>)
        %dma_wait3A_120 = arith.constant 0 : i32
        %dma_wait3A_121 = arith.constant 0 : i32
        %dma_wait3A_122 = tpu.memref_slice %arg7[%dma_wait3A_120, %dma_wait3A_121] : memref<65x128xf32, #tpu.memory_space<hbm>> -> memref<64x128xf32, #tpu.memory_space<hbm>>
        %dma_wait3A_123 = arith.constant 0 : i32
        %dma_wait3A_124 = arith.constant 0 : i32
        %dma_wait3A_125 = tpu.memref_slice %arg7[%dma_wait3A_123, %dma_wait3A_124] : memref<65x128xf32, #tpu.memory_space<hbm>> -> memref<64x128xf32, #tpu.memory_space<hbm>>
        tpu.wait_dma2 semaphore(%run_scoped3A : memref<!tpu.dma_semaphore, #tpu.memory_space<semaphore_mem>>) src(%arg13 : memref<64x128xf32, #tpu.memory_space<vmem>>) dst(%dma_wait3A_125 : memref<64x128xf32, #tpu.memory_space<hbm>>)
        tpu.yield
      }) : () -> ()
    } else {
    }
    %eq3A_106 = arith.constant 3 : i32
    %eq3A_107 = arith.cmpi eq, %add3A, %eq3A_106 : i32
    %convert_element_type3A_108 = arith.extui %eq3A_107 : i1 to i32
    %cond3A_109 = arith.constant 0 : i32
    %cond3A_110 = arith.cmpi ne, %convert_element_type3A_108, %cond3A_109 : i32
    scf.if %cond3A_110 {
      %dma_wait3A_111 = arith.constant 0 : i32
      %dma_wait3A_112 = arith.constant 0 : i32
      %dma_wait3A_113 = tpu.memref_slice %arg2[%dma_wait3A_111, %dma_wait3A_112] : memref<10000x128xf32, #tpu.memory_space<hbm>> -> memref<10000x128xf32, #tpu.memory_space<hbm>>
      tpu.wait_indirect_dma semaphore(%arg18 : memref<!tpu.dma_semaphore, #tpu.memory_space<semaphore_mem>>) src(%dma_wait3A_113 : memref<10000x128xf32, #tpu.memory_space<hbm>>) dst(%arg15 : memref<1x128xf32, #tpu.memory_space<vmem>>)
      "tpu.region"() ({
        %run_scoped3A = tpu.sem_alloc : memref<!tpu.dma_semaphore, #tpu.memory_space<semaphore_mem>>
        %dma_start3A_114 = arith.constant 64 : i32
        %dma_start3A_115 = arith.constant 0 : i32
        %dma_start3A_116 = tpu.memref_slice %arg7[%dma_start3A_114, %dma_start3A_115] : memref<65x128xf32, #tpu.memory_space<hbm>> -> memref<1x128xf32, #tpu.memory_space<hbm>>
        %dma_start3A_117 = arith.constant 64 : i32
        %dma_start3A_118 = arith.constant 0 : i32
        %dma_start3A_119 = tpu.memref_slice %arg7[%dma_start3A_117, %dma_start3A_118] : memref<65x128xf32, #tpu.memory_space<hbm>> -> memref<1x128xf32, #tpu.memory_space<hbm>>
        tpu.enqueue_dma source(%arg15 : memref<1x128xf32, #tpu.memory_space<vmem>>) target(%dma_start3A_119 : memref<1x128xf32, #tpu.memory_space<hbm>>) target_semaphore(%run_scoped3A : memref<!tpu.dma_semaphore, #tpu.memory_space<semaphore_mem>>)
        %dma_wait3A_120 = arith.constant 64 : i32
        %dma_wait3A_121 = arith.constant 0 : i32
        %dma_wait3A_122 = tpu.memref_slice %arg7[%dma_wait3A_120, %dma_wait3A_121] : memref<65x128xf32, #tpu.memory_space<hbm>> -> memref<1x128xf32, #tpu.memory_space<hbm>>
        %dma_wait3A_123 = arith.constant 64 : i32
        %dma_wait3A_124 = arith.constant 0 : i32
        %dma_wait3A_125 = tpu.memref_slice %arg7[%dma_wait3A_123, %dma_wait3A_124] : memref<65x128xf32, #tpu.memory_space<hbm>> -> memref<1x128xf32, #tpu.memory_space<hbm>>
        tpu.wait_dma2 semaphore(%run_scoped3A : memref<!tpu.dma_semaphore, #tpu.memory_space<semaphore_mem>>) src(%arg15 : memref<1x128xf32, #tpu.memory_space<vmem>>) dst(%dma_wait3A_125 : memref<1x128xf32, #tpu.memory_space<hbm>>)
        tpu.yield
      }) : () -> ()
    } else {
    }
    return
  }
}

module attributes {stable_mosaic.version = 14 : i64} {
  func.func @_dense_body(%arg0: memref<32x128xf32, #tpu.memory_space<vmem>>, %arg1: memref<65x128xf32, #tpu.memory_space<vmem>>, %arg2: memref<128x128xf32, #tpu.memory_space<vmem>>, %arg3: memref<128xf32, #tpu.memory_space<vmem>>, %arg4: memref<128x128xf32, #tpu.memory_space<vmem>>, %arg5: memref<128xf32, #tpu.memory_space<vmem>>, %arg6: memref<1x128xf32, #tpu.memory_space<vmem>>, %arg7: memref<1xf32, #tpu.memory_space<vmem>>, %arg8: memref<64xf32, #tpu.memory_space<vmem>>) attributes {dimension_semantics = [], scalar_prefetch = 0 : i64, scratch_operands = 0 : i64, tpu.core_type = #tpu.core_type<tc>} {
    %get3A = arith.constant 0 : index
    %get3A_0 = arith.constant 0 : index
    %get3A_1 = vector.load %arg0[%get3A, %get3A_0] : memref<32x128xf32, #tpu.memory_space<vmem>>, vector<32x128xf32>
    %reduce_sum3A = arith.constant dense<0.000000e+00> : vector<128xf32>
    %reduce_sum3A_2 = vector.multi_reduction <add>, %get3A_1, %reduce_sum3A [0] : vector<32x128xf32> to vector<128xf32>
    %broadcast_in_dim3A = vector.shape_cast %reduce_sum3A_2 : vector<128xf32> to vector<1x128xf32>
    %mul3A = arith.constant 2.44140625E-4 : f32
    %mul3A_3 = vector.broadcast %mul3A : f32 to vector<1x128xf32>
    %mul3A_4 = arith.mulf %broadcast_in_dim3A, %mul3A_3 : vector<1x128xf32>
    %get3A_5 = arith.constant 0 : index
    %get3A_6 = arith.constant 0 : index
    %get3A_7 = vector.load %arg2[%get3A_5, %get3A_6] : memref<128x128xf32, #tpu.memory_space<vmem>>, vector<128x128xf32>
    %dot_general3A = arith.constant dense<0.000000e+00> : vector<1x128xf32>
    %dot_general3A_8 = tpu.matmul %mul3A_4, %get3A_7, %dot_general3A {dimension_numbers = #tpu.dot_dimension_numbers<[1], [1], [0], [0], [0, 0, 1, 0], [], []>, transpose_lhs_hint = false} : vector<1x128xf32>, vector<128x128xf32>, vector<1x128xf32> -> vector<1x128xf32>
    %get3A_9 = arith.constant 64 : index
    %get3A_10 = arith.constant 0 : index
    %get3A_11 = vector.load %arg1[%get3A_9, %get3A_10] : memref<65x128xf32, #tpu.memory_space<vmem>>, vector<1x128xf32>
    %get3A_12 = arith.constant 0 : index
    %get3A_13 = arith.constant 0 : index
    %get3A_14 = vector.load %arg4[%get3A_12, %get3A_13] : memref<128x128xf32, #tpu.memory_space<vmem>>, vector<128x128xf32>
    %dot_general3A_15 = arith.constant dense<0.000000e+00> : vector<1x128xf32>
    %dot_general3A_16 = tpu.matmul %get3A_11, %get3A_14, %dot_general3A_15 {dimension_numbers = #tpu.dot_dimension_numbers<[1], [1], [0], [0], [0, 0, 1, 0], [], []>, transpose_lhs_hint = false} : vector<1x128xf32>, vector<128x128xf32>, vector<1x128xf32> -> vector<1x128xf32>
    %add3A = arith.addf %dot_general3A_8, %dot_general3A_16 : vector<1x128xf32>
    %get3A_17 = arith.constant 0 : index
    %get3A_18 = vector.load %arg3[%get3A_17] : memref<128xf32, #tpu.memory_space<vmem>>, vector<128xf32>
    %broadcast_in_dim3A_19 = vector.shape_cast %get3A_18 : vector<128xf32> to vector<1x128xf32>
    %add3A_20 = arith.addf %add3A, %broadcast_in_dim3A_19 : vector<1x128xf32>
    %get3A_21 = arith.constant 0 : index
    %get3A_22 = vector.load %arg5[%get3A_21] : memref<128xf32, #tpu.memory_space<vmem>>, vector<128xf32>
    %broadcast_in_dim3A_23 = vector.shape_cast %get3A_22 : vector<128xf32> to vector<1x128xf32>
    %add3A_24 = arith.addf %add3A_20, %broadcast_in_dim3A_23 : vector<1x128xf32>
    %get3A_25 = arith.constant 0 : index
    %get3A_26 = arith.constant 0 : index
    %get3A_27 = vector.load %arg1[%get3A_25, %get3A_26] : memref<65x128xf32, #tpu.memory_space<vmem>>, vector<64x128xf32>
    %add3A_28 = vector.broadcast %add3A_24 : vector<1x128xf32> to vector<64x128xf32>
    %add3A_29 = arith.addf %get3A_27, %add3A_28 : vector<64x128xf32>
    %max3A = arith.constant 0.000000e+00 : f32
    %max3A_30 = vector.broadcast %max3A : f32 to vector<64x128xf32>
    %max3A_31 = arith.maximumf %add3A_29, %max3A_30 : vector<64x128xf32>
    %get3A_32 = arith.constant 0 : index
    %get3A_33 = arith.constant 0 : index
    %get3A_34 = vector.load %arg6[%get3A_32, %get3A_33] : memref<1x128xf32, #tpu.memory_space<vmem>>, vector<1x128xf32>
    %mul3A_35 = vector.broadcast %get3A_34 : vector<1x128xf32> to vector<64x128xf32>
    %mul3A_36 = arith.mulf %max3A_31, %mul3A_35 : vector<64x128xf32>
    %reduce_sum3A_37 = arith.constant dense<0.000000e+00> : vector<64xf32>
    %reduce_sum3A_38 = vector.multi_reduction <add>, %mul3A_36, %reduce_sum3A_37 [1] : vector<64x128xf32> to vector<64xf32>
    %get3A_39 = arith.constant 0 : index
    %get3A_40 = vector.load %arg7[%get3A_39] : memref<1xf32, #tpu.memory_space<vmem>>, vector<1xf32>
    %add3A_41 = vector.broadcast %get3A_40 : vector<1xf32> to vector<64xf32>
    %add3A_42 = arith.addf %reduce_sum3A_38, %add3A_41 : vector<64xf32>
    %reduce_max3A = vector.shape_cast %add3A_42 : vector<64xf32> to vector<1x64xf32>
    %reduce_max3A_43 = arith.constant dense<0xFF800000> : vector<1xf32>
    %reduce_max3A_44 = vector.multi_reduction <maximumf>, %reduce_max3A, %reduce_max3A_43 [1] : vector<1x64xf32> to vector<1xf32>
    %reduce_max3A_45 = vector.shape_cast %reduce_max3A_44 : vector<1xf32> to vector<1x1xf32>
    %reduce_max3A_46 = vector.extract %reduce_max3A_45[0, 0] : f32 from vector<1x1xf32>
    %sub3A = vector.broadcast %reduce_max3A_46 : f32 to vector<64xf32>
    %sub3A_47 = arith.subf %add3A_42, %sub3A : vector<64xf32>
    %exp3A = math.exp %sub3A_47 : vector<64xf32>
    %reduce_sum3A_48 = vector.shape_cast %exp3A : vector<64xf32> to vector<1x64xf32>
    %reduce_sum3A_49 = arith.constant dense<0.000000e+00> : vector<1xf32>
    %reduce_sum3A_50 = vector.multi_reduction <add>, %reduce_sum3A_48, %reduce_sum3A_49 [1] : vector<1x64xf32> to vector<1xf32>
    %reduce_sum3A_51 = vector.shape_cast %reduce_sum3A_50 : vector<1xf32> to vector<1x1xf32>
    %reduce_sum3A_52 = vector.extract %reduce_sum3A_51[0, 0] : f32 from vector<1x1xf32>
    %div3A = arith.constant 1.000000e+00 : f32
    %div3A_53 = arith.divf %div3A, %reduce_sum3A_52 : f32
    %mul3A_54 = vector.broadcast %div3A_53 : f32 to vector<64xf32>
    %mul3A_55 = arith.mulf %exp3A, %mul3A_54 : vector<64xf32>
    %swap3A = arith.constant 0 : index
    %swap3A_56 = vector.load %arg8[%swap3A] : memref<64xf32, #tpu.memory_space<vmem>>, vector<64xf32>
    tpu.vector_store %arg8[%swap3A], %mul3A_55 {strides = array<i32>} : memref<64xf32, #tpu.memory_space<vmem>>, vector<64xf32>,
    return
  }
}

</mosaic_0001>

<sc_bundles>
// kernel: kernel.4.cloned.1.call-start
scs
__scs_entry_jumppad:
0x0: {  	(pc) =	sbr.rel $0x88, $3  }
0x1: {  	(tag) =	ssettag $0x0;
	lr =	simm.s32 $0x1  }
0x2: {  	[smem:$0x3F97] =	sst lr;
	_ =	strace $0xD0000000  }
0x3: {  	_ = 	snop  }
0x4: {  	_ = 	snop  }
0x5: {  	_ = 	snop  }
0x6: {  	_ = 	snop  }
0x7: {  	_ = 	snop  }
__scs_overlays_trampoline_lowered:
0x8: {  	[smem:$0x3FA6] =	sst s0  }
0x9: {  	[smem:$0x3FA7] =	sst s1  }
0xa: {  	[smem:$0x3FA8] =	sst s2  }
0xb: {  	[smem:$0x3FA9] =	sst s3  }
0xc: {  	[smem:$0x3FAA] =	sst s4  }
0xd: {  	[smem:$0x3FAB] =	sst s5  }
0xe: {  	[smem:$0x3FAC] =	sst s6  }
0xf: {  	[smem:$0x3FAD] =	sst s7  }
0x10: {  	[smem:$0x3FAE] =	sst s8  }
0x11: {  	[smem:$0x3FAF] =	sst s9;
	s0 =	simm.s32 @!p0 $0x0  }
0x12: {  	s1 =	sld [smem:$0x3F95];
	s0 =	simm.s32 @p0 $0x1  }
0x13: {  	[smem:$0x3FB0] =	sst s0;
	s0 =	simm.s32 @!p1 $0x0  }
0x14: {  	s2 =	sld [smem:$0x3F94];
	s0 =	simm.s32 @p1 $0x1  }
0x15: {  	[smem:$0x3FB1] =	sst s0;
	s0 =	simm.s32 @!p2 $0x0  }
0x16: {  	s3 =	sld [smem:$0x3FDB];
	s0 =	simm.s32 @p2 $0x1  }
0x17: {  	s4 =	simm.s32 $0x1BF5;
	[smem:$0x3FB3] =	sst s0  }
0x18: {  	s0 =	sld [smem:$0x3F96];
	_ =	swait.ge [sflag:s4], $0x0  }
0x19: {  	s7 =	sld [smem:$0x3F97]  }
0x1a: {  	s8 =	sadd.s32 $0xFFFFE003, lr  }
0x1b: {  	s9 =	sadd.s32 $0xFFFFFEF7, lr;
	s5 =	simm.s32 $0xFFFFFFFF;
	p2 =	slt.u32 s8, $0xFFFFF086  }
0x1c: {  	p1 =	slt.u32 s9, $0xF7A;
	s5 =	simm.s32 @!p2 $0x0  }
0x1d: {  	s5 =	simm.s32 @p1 $0x1;
	p0 =	seq.s32 s7, s2  }
0x1e: {  	s7 =	smul.u32 @!p0 $0xF7A, s2;
	p2 =	seq.s32 @!p0 s5, $0x0  }
0x1f: {  	s9 =	smul.u32 $0xF7A, s1;
	s8 =	simm.s32 @!p0 $0x1BF5;
	p2 =	por !p2, p0  }
0x20: {  	[sflag:s8] =	ssyncset.s32 @!p0 $0xFFFFF086;
	s6 =	sadd.s32 @!p0 s3, s7;
	s7 =	simm.s32 @!p0 $0x108  }
0x21: {  	s3 =	sadd.s32 s3, s9;
	s6 =	sadd.s32 @!p0 $0x88, s6;
	s7 =	simm.s32 @p2 $0x1082  }
0x22: {  	[simem:s7], [sflag:s8] =	dma.local @!p0 [hbm:s6], $0xF7A  }
0x23: {  	s9 =	sor.u32 $0xD0000000, s2;
	s6 =	simm.s32 $0x108;
	_ =	swait.ge @!p0 [sflag:s8], $0x0  }
0x24: {  	s3 =	sadd.s32 $0x88, s3;
	s6 =	simm.s32 @!p1 $0x1082;
	[sflag:s4] =	ssyncset.s32 $0xFFFFF086  }
0x25: {  	[simem:s6], [sflag:s4] =	dma.local [hbm:s3], $0xF7A  }
0x26: {  	[smem:$0x3F97] =	sst s1;
	(tag) =	ssettag s2;
	_ =	strace s9  }
0x27: {  	s1 =	sld [smem:$0x3FA7]  }
0x28: {  	s2 =	sld [smem:$0x3FA8]  }
0x29: {  	s4 =	sld [smem:$0x3FAA]  }
0x2a: {  	p0 =	seq.s32 s5, $0x0;
	s5 =	sld [smem:$0x3FAB]  }
0x2b: {  	s6 =	sld [smem:$0x3FAC]  }
0x2c: {  	s7 =	sld [smem:$0x3FAD]  }
0x2d: {  	s3 =	simm.s32 $0x108;
	s8 =	sld [smem:$0x3FAE]  }
0x2e: {  	s3 =	simm.s32 @!p0 $0x1082;
	s9 =	sld [smem:$0x3FAF]  }
0x2f: {  	lr =	sadd.s32 s0, s3;
	s0 =	sld [smem:$0x3FA6]  }
0x30: {  	s3 =	sld [smem:$0x3FA9]  }
0x31: {  	[smem:$0x3FB2] =	sst s10  }
0x32: {  	s10 =	sld [smem:$0x3FB0];
	_ =	sdelay $0x3  }
0x33: {  	p0 =	seq.s32 s10, $0x1;
	s10 =	sld [smem:$0x3FB2];
	_ =	sdelay $0x3  }
0x34: {  	[smem:$0x3FB2] =	sst s10  }
0x35: {  	s10 =	sld [smem:$0x3FB1];
	_ =	sdelay $0x3  }
0x36: {  	p1 =	seq.s32 s10, $0x1;
	s10 =	sld [smem:$0x3FB2];
	_ =	sdelay $0x3  }
0x37: {  	[smem:$0x3FB2] =	sst s10  }
0x38: {  	s10 =	sld [smem:$0x3FB3]  }
0x39: {  	_ = 	snop;
	(pc) =	sbr.ind lr, $3  }
0x3a: {  	_ = 	snop  }
0x3b: {  	_ = 	snop  }
0x3c: {  	p2 =	seq.s32 s10, $0x1;
	s10 =	sld [smem:$0x3FB2]  }
0x3d: {  	_ =	shalt  }
0x3e: {  	_ =	shalt  }
0x3f: {  	_ =	shalt  }
0x40: {  	_ =	shalt  }
0x41: {  	_ =	shalt  }
0x42: {  	_ =	shalt  }
0x43: {  	_ =	shalt  }
0x44: {  	_ =	shalt  }
0x45: {  	_ =	shalt  }
0x46: {  	_ =	shalt  }
0x47: {  	_ =	shalt  }
0x48: {  	_ =	shalt  }
0x49: {  	_ =	shalt  }
0x4a: {  	_ =	shalt  }
0x4b: {  	_ =	shalt  }
0x4c: {  	_ =	shalt  }
0x4d: {  	_ =	shalt  }
0x4e: {  	_ =	shalt  }
0x4f: {  	_ =	shalt  }
0x50: {  	_ =	shalt  }
0x51: {  	_ =	shalt  }
0x52: {  	_ =	shalt  }
0x53: {  	_ =	shalt  }
0x54: {  	_ =	shalt  }
0x55: {  	_ =	shalt  }
0x56: {  	_ =	shalt  }
0x57: {  	_ =	shalt  }
0x58: {  	_ =	shalt  }
0x59: {  	_ =	shalt  }
0x5a: {  	_ =	shalt  }
0x5b: {  	_ =	shalt  }
0x5c: {  	_ =	shalt  }
0x5d: {  	_ =	shalt  }
0x5e: {  	_ =	shalt  }
0x5f: {  	_ =	shalt  }
0x60: {  	_ =	shalt  }
0x61: {  	_ =	shalt  }
0x62: {  	_ =	shalt  }
0x63: {  	_ =	shalt  }
0x64: {  	_ =	shalt  }
0x65: {  	_ =	shalt  }
0x66: {  	_ =	shalt  }
0x67: {  	_ =	shalt  }
0x68: {  	_ =	shalt  }
0x69: {  	_ =	shalt  }
0x6a: {  	_ =	shalt  }
0x6b: {  	_ =	shalt  }
0x6c: {  	_ =	shalt  }
0x6d: {  	_ =	shalt  }
0x6e: {  	_ =	shalt  }
0x6f: {  	_ =	shalt  }
0x70: {  	_ =	shalt  }
0x71: {  	_ =	shalt  }
0x72: {  	_ =	shalt  }
0x73: {  	_ =	shalt  }
0x74: {  	_ =	shalt  }
0x75: {  	_ =	shalt  }
0x76: {  	_ =	shalt  }
0x77: {  	_ =	shalt  }
0x78: {  	_ =	shalt  }
0x79: {  	_ =	shalt  }
0x7a: {  	_ =	shalt  }
0x7b: {  	_ =	shalt  }
0x7c: {  	_ =	shalt  }
0x7d: {  	_ =	shalt  }
0x7e: {  	_ =	shalt  }
0x7f: {  	_ =	shalt  }
0x80: {  	_ =	shalt  }
0x81: {  	_ =	shalt  }
0x82: {  	_ =	shalt  }
0x83: {  	_ =	shalt  }
0x84: {  	_ =	shalt  }
0x85: {  	_ =	shalt  }
0x86: {  	_ =	shalt  }
0x87: {  	_ =	shalt  }
.Lfunc_end0:
.L_simem_size_0:
called_computation_lowered:
.L_overlay_start_0:
0x88: {  	s2 =	sld [smem:$0x3FD9]  }
0x89: {  	s3 =	sld [smem:$0x3FFE];
	_ =	sdelay $0x1  }
0x8a: {  	s1 =	srdreg.scid  }
0x8b: {  	s0 =	sand.u32 $0x1, s1  }
0x8c: {  	s17 =	sshll.u32 s0, $0xA;
	s2 =	sadd.s32 s3, s2  }
0x8d: {  	s2 =	sadd.s32 s2, s17  }
0x8e: {  	[smem:$0x3FBE] =	sst s2  }
0x8f: {  	_ = 	snop  }
0x90: {  	s2 =	sld [smem:$0x3FC9]  }
0x91: {  	s18 =	sld [smem:$0x3FC8]  }
0x92: {  	s4 =	sld [smem:$0x3FC7]  }
0x93: {  	s5 =	sld [smem:$0x3FC6];
	(tm) =	ssettm $0x1  }
0x94: {  	s6 =	sld [smem:$0x3FFB];
	_ =	sdelay $0x3  }
0x95: {  	_ =	strace s6  }
0x96: {  	s6 =	sld [smem:$0x3FFC];
	_ =	sdelay $0x3  }
0x97: {  	_ =	strace s6  }
0x98: {  	s6 =	sld [smem:$0x3FFD];
	_ =	sdelay $0x3  }
0x99: {  	_ =	strace s6  }
0x9a: {  	_ =	strace $0x8FFFFFFF  }
0x9b: {  	s19 =	sld [smem:$0x3FDB];
	_ =	sdelay $0x1  }
0x9c: {  	s7 =	simm.s32 $_scs_section_size  }
0x9d: {  	s8 =	simm.s32 $_size__tile_overlayer_lowered;
	s9 =	simm.s32 $_tile_overlayer_lowered  }
0x9e: {  	s22 =	simm.s32 $0x1BFF;
	s21 =	sshll.u32 s9, $0x1;
	s6 =	sadd.s32 s7, s19  }
0x9f: {  	s10 =	simm.s32 $0x0;
	s20 =	sshll.u32 s8, $0x1;
	s8 =	sadd.s32 s21, s6  }
0xa0: {  	[timem:s10], [sflag:s22] =	dma.local [hbm:s8], s20  }
0xa1: {  	_ =	swait.ge [sflag:s22], s20  }
0xa2: {  	s7 =	ssub.s32 $0x0, s20;
	[sflag:s22] =	ssyncset.done $0x0  }
0xa3: {  	[sflag:s22] =	ssyncadd.s32 s7;
	_ =	sdelay $0x1  }
0xa4: {  	s23 =	simm.s32 $0x1B8B  }
0xa5: {  	_ =	swait.ge [sflag:s23], $0x1  }
0xa6: {  	[sflag:s23] =	ssyncset.done $0x0  }
0xa7: {  	s25 =	simm.s32 $0x1B8E;
	s24 =	sld [smem:$0x3FFE];
	[sflag:s23] =	ssyncadd.s32 $0xFFFFFFFF  }
0xa8: {  	s26 =	simm.s32 $execute0_lowered;
	[smem:$0x3FD2] =	sst s25  }
0xa9: {  	s8 =	sshll.u32 s26, $0x1;
	_ =	strace $0x80000046;
	[dreg:$0x1] =	wrdreg $0xFFFFFFFF  }
0xaa: {  	s28 =	simm.s32 $_size_execute0_lowered;
	s6 =	sadd.s32 s6, s8;
	[dreg:$0x0] =	wrdreg $0x0  }
0xab: {  	s8 =	sshll.u32 s28, $0x1;
	[dreg:$0x2] =	wrdreg s6  }
0xac: {  	[dreg:$0x3] =	wrdreg s8  }
0xad: {  	[dreg:$0x4] =	wrdreg $0xC0  }
0xae: {  	_ =	task [dreg:s10], $0x5FFFF  }
0xaf: {  	[dreg:$0x1] =	wrdreg $0xFFFFFFFF  }
0xb0: {  	[dreg:$0x0] =	wrdreg $0x60  }
0xb1: {  	[dreg:$0x2] =	wrdreg s5  }
0xb2: {  	[dreg:$0x3] =	wrdreg s2  }
0xb3: {  	[dreg:$0x4] =	wrdreg s4  }
0xb4: {  	[dreg:$0x5] =	wrdreg s18  }
0xb5: {  	[dreg:$0x6] =	wrdreg s24  }
0xb6: {  	[dreg:$0x7] =	wrdreg $0x9  }
0xb7: {  	_ =	task.clear_ibuf [dreg:s10], $0x8FFFF;
	_ =	strace $0x90000046  }
0xb8: {  	s29 =	simm.s32 $0x9;
	_ =	strace $0x80000048  }
0xb9: {  	_ =	swait.ge [sflag:s29], $0x1  }
0xba: {  	[sflag:s29] =	ssyncadd.s32 $0xFFFFFFFF  }
0xbb: {  	_ =	strace $0x90000048  }
0xbc: {  	_ =	sfence  }
0xbd: {  	s30 =	sld [smem:$0x0];
	_ =	sdelay $0x2  }
0xbe: {  	s31 =	sshll.u32 s1, $0xD;
	s1 =	sshrl.u32 s1, $0x2  }
0xbf: {  	s3 =	sand.u32 $0x4000, s31;
	s1 =	sadd.s32 s1, s30  }
0xc0: {  	s0 =	sor.u32 s3, s0;
	s1 =	sshll.u32 s1, $0x11  }
0xc1: {  	s0 =	sor.u32 s1, s0  }
0xc2: {  	s0 =	sadd.s32 $0x8F2B, s0  }
0xc3: {  	[sflag:s0] =	ssyncadd.remote.s32 $0x1  }
0xc4: {  	_ =	sfence.sel $0xFFFF  }
0xc5: {  	[dreg:$0x0] =	wrdreg $0xFFFFFFFF;
	(pc) =	sbr.abs _section_cstart, $3  }
0xc6: {  	[dreg:$0x1] =	wrdreg $0xFFFFFFFF  }
0xc7: {  	_ =	task.clear_ibuf [dreg:s10], $0x2FFFF;
	_ =	strace $0x9FFFFFFF  }
0xc8: {  	(tm) =	ssettm $0x7FFFFFFF  }
0xc9: {  	_ =	shalt  }
tec
execute0_lowered:
.L_overlay_start_1:
0x0: {  	(tag) =	ssettag $0x1  }
0x1: {  	s1 =	rddreg [dreg:$0x0]  }
0x2: {  	s7 =	rddreg [dreg:$0x1]  }
0x3: {  	s2 =	rddreg [dreg:$0x2]  }
0x4: {  	s4 =	rddreg [dreg:$0x3]  }
0x5: {  	s9 =	rddreg [dreg:$0x4]  }
0x6: {  	s0 =	rddreg [dreg:$0x5]  }
0x7: {  	s6 =	srdreg.scid;
	s3 =	stileid.u32  }
0x8: {  	s5 =	simm.s32 $0x0;
	s13 =	simm.s32 $0x80;
	s14 =	simm.s32 $0x2080  }
0x9: {  	p1 =	por $0x0, $0x0;
	s15 =	simm.s32 $0x1;
	s16 =	simm.s32 $0x2  }
0xa: {  	s18 =	simm.s32 $0x0;
	s6 =	sand.u32 $0x1, s6;
	s8 =	sshll.u32 s3, $0x1  }
0xb: {  	[smem:$0x7FF] =	sst s5;
	s17 =	sor.u32 s6, s8;
	s31 =	ssub.s32 $0x2, s6  }
0xc: {  	_ =	strace $0x80000047;
	s6 =	sadd.s32 $0x1600, s9;
	s10 =	sshll.u32 s17, $0x4  }
0xd: {  	s11 =	sshrl.u32 s31, $0x1;
	p0 =	seq.s32 s17, $0x3;
	p4 =	sne.s32 s17, $0x1  }
0xe: {  	s12 =	sadd.s32 s10, s9;
	s11 =	ssub.s32 s31, s11;
	s7 =	sadd.s32 s7, s10  }
0xf: {  	s9 =	sadd.s32 $0x1A00, s9;
	p3 =	sne.s32 @!p0 s17, $0x1;
	s17 =	simm.s32 $0x4080  }
0x10: {  	s8 =	sadd.s32 $0x1C00, s12;
	s10 =	smax.u32 s11, $0x1;
	s11 =	simm.s32 $0x4  }
0x11: {  	s12 =	simm.s32 $0x40;
	p2 =	por p3, p0;
	p3 =	por !p3, p0  }
.LBB2_1:
0x12: {  	[tilespmem:s5], [sflag:$0x4] =	stream.linear.gather [hbm4b:s7+s5], $0x80, $0x38;
	[tilespmem:$0x6280] =	vst v63  }
0x13: {  	_ =	swait.ge [sflag:s11], $0x80  }
0x14: {  	[sflag:s11] =	ssyncset.done $0x0  }
0x15: {  	[sflag:s11] =	ssyncadd.s32 $0xFFFFFF80  }
0x16: {  	[tilespmem:s13], [sflag:$0x1] =	stream.indirect.gather [hbm4b:s1+s12], $0x80, s5, s12, $0xb8;
	[tilespmem:$0x6280] =	vst v63  }
0x17: {  	_ = 	snop  }
0x18: {  	[tilespmem:s14], [sflag:$0x2] =	stream.indirect.gather [hbm4b:s1+s12], $0x80, s12, s12, $0xb8;
	[tilespmem:$0x6280] =	vst v63  }
0x19: {  	s19 =	simm.s32 @p0 $0x0;
	s20 =	simm.s32 @p0 $0x6180  }
0x1a: {  	[tilespmem:s20], [sflag:$0x4] =	stream.linear.gather @p0 [hbm4b:s4+s19], $0x80, $0x38;
	[tilespmem:$0x6280] =	vst v63  }
0x1b: {  	s19 =	simm.s32 @p0 $0x4  }
0x1c: {  	_ =	swait.ge @p0 [sflag:s19], $0x80  }
0x1d: {  	[sflag:s19] =	ssyncset.done @p0 $0x0  }
0x1e: {  	s21 =	simm.s32 @p0 $0x6200;
	[sflag:s19] =	ssyncadd.s32 @p0 $0xFFFFFF80;
	s19 =	simm.s32 @p0 $0x1  }
0x1f: {  	[tilespmem:s21], [sflag:$0x3] =	stream.indirect.gather @p0 [hbm4b:s1+s19], $0x80, s20, s19, $0xb8;
	[tilespmem:$0x6280] =	vst v63  }
0x20: {  	s19 =	simm.s32 @!p2 $0x0;
	s20 =	simm.s32 @!p2 $0x4100  }
0x21: {  	[tilespmem:s20], [sflag:$0x4] =	stream.linear.gather @!p2 [hbm4b:s2+s19], $0x80, $0x38;
	[tilespmem:$0x6280] =	vst v63  }
0x22: {  	s19 =	simm.s32 @!p2 $0x4  }
0x23: {  	_ =	swait.ge @!p2 [sflag:s19], $0x80  }
0x24: {  	[sflag:s19] =	ssyncset.done @!p2 $0x0  }
0x25: {  	s21 =	simm.s32 @!p2 $0x4180;
	[sflag:s19] =	ssyncadd.s32 @!p2 $0xFFFFFF80;
	s19 =	simm.s32 @!p2 $0x40  }
0x26: {  	[tilespmem:s21], [sflag:$0x3] =	stream.indirect.gather @!p2 [hbm4b:s1+s19], $0x80, s20, s19, $0xb8;
	[tilespmem:$0x6280] =	vst v63  }
0x27: {  	_ =	swait.ge [sflag:s15], $0x2000  }
0x28: {  	[sflag:s15] =	ssyncset.done $0x0  }
0x29: {  	s19 =	simm.s32 $0x0;
	[sflag:s15] =	ssyncadd.s32 $0xFFFFE000  }
0x2a: {  	v2 =	vld [tilespmem:s19+$0x100]  }
0x2b: {  	v5 =	vld [tilespmem:s19+$0x110]  }
0x2c: {  	v4 =	vld [tilespmem:s19+$0x120]  }
0x2d: {  	v7 =	vld [tilespmem:s19+$0x130]  }
0x2e: {  	v0 =	vld [tilespmem:s19+$0x140]  }
0x2f: {  	v1 =	vld [tilespmem:s19+$0x150]  }
0x30: {  	v23 =	vld [tilespmem:s19+$0x80]  }
0x31: {  	v25 =	vld [tilespmem:s19+$0x90]  }
0x32: {  	v22 =	vld [tilespmem:s19+$0xA0]  }
0x33: {  	v24 =	vld [tilespmem:s19+$0xB0]  }
0x34: {  	p6 =	por @!p2 $0x0, $0x0;
	v6 =	vimm.f32 $0.0e+00;
	v16 =	vimm.f32 $0.0e+00;
	v19 =	vld [tilespmem:s19+$0xC0]  }
0x35: {  	p5 =	por @p0 $0x1, $0x1;
	v17 =	vimm.f32 $0.0e+00;
	v18 =	vimm.f32 $0.0e+00;
	v12 =	vimm.f32 $0.0e+00;
	p6 =	por @!p3 p1, p1;
	v20 =	vld [tilespmem:s19+$0xD0]  }
0x36: {  	v15 =	vimm.f32 $0.0e+00;
	v13 =	vimm.f32 $0.0e+00;
	v14 =	vimm.f32 $0.0e+00;
	p5 =	por @!p0 p6, p6;
	s20 =	simm.s32 $0x400;
	v21 =	vld [tilespmem:s19+$0xE0]  }
.LBB2_2:
0x37: {  	p6 =	sne.s32 s20, $0x7C00;
	v3 =	vadd.f32 v23, v6;
	v8 =	vadd.f32 v25, v16;
	v9 =	vld [tilespmem:s19+$0xF0]  }
0x38: {  	v10 =	vadd.f32 v22, v17;
	v11 =	vadd.f32 v24, v18;
	v22 =	vld [tilespmem:s19+$0x160]  }
0x39: {  	v6 =	vadd.f32 v2, v3;
	v16 =	vadd.f32 v5, v8;
	v3 =	vld [tilespmem:s19+$0x170];
	s19 =	sshra.s32 s20, $0x2  }
0x3a: {  	v17 =	vadd.f32 v4, v10;
	v2 =	vld [tilespmem:s19+$0x100];
	v18 =	vadd.f32 v7, v11  }
0x3b: {  	v8 =	vadd.f32 v19, v12;
	v10 =	vadd.f32 v20, v15;
	v5 =	vld [tilespmem:s19+$0x110]  }
0x3c: {  	v11 =	vadd.f32 v21, v13;
	v4 =	vld [tilespmem:s19+$0x120];
	v9 =	vadd.f32 v9, v14  }
0x3d: {  	v12 =	vadd.f32 v0, v8;
	v15 =	vadd.f32 v1, v10;
	v7 =	vld [tilespmem:s19+$0x130]  }
0x3e: {  	v13 =	vadd.f32 v22, v11;
	v0 =	vld [tilespmem:s19+$0x140];
	v14 =	vadd.f32 v3, v9  }
0x3f: {  	v1 =	vld [tilespmem:s19+$0x150]  }
0x40: {  	v23 =	vld [tilespmem:s19+$0x80]  }
0x41: {  	v25 =	vld [tilespmem:s19+$0x90]  }
.Ltmp0:
0x42: {  	v22 =	vld [tilespmem:s19+$0xA0];
	(pc) =	sbr.rel @p6 .LBB2_2-.Ltmp0, $4  }
0x43: {  	v24 =	vld [tilespmem:s19+$0xB0]  }
0x44: {  	v19 =	vld [tilespmem:s19+$0xC0]  }
0x45: {  	v20 =	vld [tilespmem:s19+$0xD0]  }
0x46: {  	s20 =	sadd.s32 $0x400, s20;
	v21 =	vld [tilespmem:s19+$0xE0]  }
0x47: {  	v26 =	vld [tilespmem:s19+$0xF0]  }
0x48: {  	v27 =	vld [tilespmem:s19+$0x160]  }
0x49: {  	v28 =	vld [tilespmem:s19+$0x170];
	_ =	swait.ge [sflag:s16], $0x2000  }
0x4a: {  	[sflag:s16] =	ssyncset.done $0x0  }
0x4b: {  	s19 =	simm.s32 $0x0;
	[sflag:s16] =	ssyncadd.s32 $0xFFFFE000  }
0x4c: {  	v8 =	vld [tilespmem:s19+$0x2100]  }
0x4d: {  	v11 =	vld [tilespmem:s19+$0x2110]  }
0x4e: {  	v9 =	vld [tilespmem:s19+$0x2120]  }
0x4f: {  	v10 =	vld [tilespmem:s19+$0x2130]  }
0x50: {  	v3 =	vld [tilespmem:s19+$0x2140]  }
0x51: {  	v23 =	vadd.f32 v23, v6;
	v16 =	vadd.f32 v25, v16;
	v6 =	vld [tilespmem:s19+$0x2150]  }
0x52: {  	v22 =	vadd.f32 v22, v17;
	v24 =	vadd.f32 v24, v18;
	v17 =	vld [tilespmem:s19+$0x2080]  }
0x53: {  	v2 =	vadd.f32 v2, v23;
	v5 =	vadd.f32 v5, v16;
	v18 =	vld [tilespmem:s19+$0x2090]  }
0x54: {  	v16 =	vadd.f32 v4, v22;
	v4 =	vadd.f32 v7, v24;
	v22 =	vld [tilespmem:s19+$0x20A0]  }
0x55: {  	v7 =	vadd.f32 v19, v12;
	v15 =	vadd.f32 v20, v15;
	v19 =	vld [tilespmem:s19+$0x20B0]  }
0x56: {  	v20 =	vadd.f32 v21, v13;
	v13 =	vld [tilespmem:s19+$0x20C0];
	v21 =	vadd.f32 v26, v14  }
0x57: {  	v12 =	vadd.f32 v0, v7;
	v1 =	vadd.f32 v1, v15;
	v14 =	vld [tilespmem:s19+$0x20D0]  }
0x58: {  	s20 =	simm.s32 $0x400;
	v15 =	vld [tilespmem:s19+$0x20E0];
	v7 =	vadd.f32 v27, v20;
	v0 =	vadd.f32 v28, v21  }
.LBB2_4:
0x59: {  	p6 =	sne.s32 s20, $0x7C00;
	v2 =	vadd.f32 v17, v2;
	v5 =	vadd.f32 v18, v5;
	v17 =	vld [tilespmem:s19+$0x20F0]  }
0x5a: {  	v16 =	vadd.f32 v22, v16;
	v4 =	vadd.f32 v19, v4;
	v18 =	vld [tilespmem:s19+$0x2160]  }
0x5b: {  	v2 =	vadd.f32 v8, v2;
	v5 =	vadd.f32 v11, v5;
	v19 =	vld [tilespmem:s19+$0x2170];
	s19 =	sshra.s32 s20, $0x2  }
0x5c: {  	v16 =	vadd.f32 v9, v16;
	v8 =	vld [tilespmem:s19+$0x2100];
	v4 =	vadd.f32 v10, v4  }
0x5d: {  	v12 =	vadd.f32 v13, v12;
	v1 =	vadd.f32 v14, v1;
	v11 =	vld [tilespmem:s19+$0x2110]  }
0x5e: {  	v7 =	vadd.f32 v15, v7;
	v9 =	vld [tilespmem:s19+$0x2120];
	v0 =	vadd.f32 v17, v0  }
0x5f: {  	v12 =	vadd.f32 v3, v12;
	v1 =	vadd.f32 v6, v1;
	v10 =	vld [tilespmem:s19+$0x2130]  }
0x60: {  	v7 =	vadd.f32 v18, v7;
	v3 =	vld [tilespmem:s19+$0x2140];
	v0 =	vadd.f32 v19, v0  }
0x61: {  	v6 =	vld [tilespmem:s19+$0x2150]  }
0x62: {  	v17 =	vld [tilespmem:s19+$0x2080]  }
0x63: {  	v18 =	vld [tilespmem:s19+$0x2090]  }
.Ltmp1:
0x64: {  	v22 =	vld [tilespmem:s19+$0x20A0];
	(pc) =	sbr.rel @p6 .LBB2_4-.Ltmp1, $4  }
0x65: {  	v19 =	vld [tilespmem:s19+$0x20B0]  }
0x66: {  	v13 =	vld [tilespmem:s19+$0x20C0]  }
0x67: {  	v14 =	vld [tilespmem:s19+$0x20D0]  }
0x68: {  	s20 =	sadd.s32 $0x400, s20;
	v15 =	vld [tilespmem:s19+$0x20E0]  }
0x69: {  	v2 =	vadd.f32 v17, v2  }
0x6a: {  	v5 =	vadd.f32 v18, v5  }
0x6b: {  	v57 =	vld [tilespmem:s19+$0x20F0];
	v16 =	vadd.f32 v22, v16;
	v2 =	vadd.f32 v8, v2  }
0x6c: {  	v58 =	vld [tilespmem:s19+$0x2160];
	v4 =	vadd.f32 v19, v4;
	v5 =	vadd.f32 v11, v5  }
0x6d: {  	v59 =	vld [tilespmem:s19+$0x2170];
	v9 =	vadd.f32 v9, v16;
	v60 =	vadd.f32 v13, v12;
	[tilespmem:$0x4080] =	vst v2  }
0x6e: {  	v61 =	vadd.f32 v10, v4;
	v1 =	vadd.f32 v14, v1;
	[tilespmem:$0x4090] =	vst v5  }
0x6f: {  	v62 =	vadd.f32 v15, v7;
	v3 =	vadd.f32 v3, v60;
	[tilespmem:$0x40A0] =	vst v9  }
0x70: {  	v0 =	vadd.f32 v57, v0;
	v1 =	vadd.f32 v6, v1;
	[tilespmem:$0x40B0] =	vst v61  }
0x71: {  	v63 =	vadd.f32 v58, v62;
	[tilespmem:$0x40C0] =	vst v3  }
0x72: {  	v0 =	vadd.f32 v59, v0;
	[tilespmem:$0x40D0] =	vst v1  }
0x73: {  	[tilespmem:$0x40E0] =	vst v63  }
0x74: {  	[tilespmem:$0x40F0] =	vst v0  }
0x75: {  	[hbm4b:s8+s5] =	stream.linear.scatter [tilespmem:s17], [sflag:$0x4], $0x80, $0x38;
	[tilespmem:$0x6280] =	vst v63  }
0x76: {  	_ =	swait.ge [sflag:s11], $0x80  }
0x77: {  	[sflag:s11] =	ssyncset.done $0x0  }
0x78: {  	s19 =	simm.s32 @!p4 $0x3;
	[sflag:s11] =	ssyncadd.s32 $0xFFFFFF80  }
0x79: {  	_ =	swait.ge @!p4 [sflag:s19], $0x2000  }
0x7a: {  	[sflag:s19] =	ssyncset.done @!p4 $0x0  }
0x7b: {  	s20 =	simm.s32 @!p4 $0x4180;
	[sflag:s19] =	ssyncadd.s32 @!p4 $0xFFFFE000;
	s19 =	simm.s32 @!p4 $0x0  }
0x7c: {  	[hbm4b:s6+s19] =	stream.linear.scatter @!p4 [tilespmem:s20], [sflag:$0x4], $0x2000, $0x38;
	[tilespmem:$0x6280] =	vst v63  }
0x7d: {  	s19 =	simm.s32 @!p4 $0x4  }
0x7e: {  	_ =	swait.ge @!p4 [sflag:s19], $0x2000  }
0x7f: {  	[sflag:s19] =	ssyncset.done @!p4 $0x0  }
0x80: {  	[sflag:s19] =	ssyncadd.s32 @!p4 $0xFFFFE000;
	s19 =	simm.s32 @p5 $0x3  }
0x81: {  	s18 =	sadd.s32 $0x1, s18;
	_ =	swait.ge @p5 [sflag:s19], $0x80  }
0x82: {  	p6 =	sne.s32 s18, s10;
	[sflag:s19] =	ssyncset.done @p5 $0x0  }
0x83: {  	s20 =	simm.s32 @p5 $0x6200;
	[sflag:s19] =	ssyncadd.s32 @p5 $0xFFFFFF80;
	s19 =	simm.s32 @p5 $0x0  }
0x84: {  	[hbm4b:s9+s19] =	stream.linear.scatter @p5 [tilespmem:s20], [sflag:$0x4], $0x80, $0x38;
	[tilespmem:$0x6280] =	vst v63  }
.Ltmp2:
0x85: {  	_ = 	snop;
	(pc) =	sbr.rel @p6 .LBB2_1-.Ltmp2, $4  }
0x86: {  	s19 =	simm.s32 @p5 $0x4  }
0x87: {  	_ =	swait.ge @p5 [sflag:s19], $0x80  }
0x88: {  	[sflag:s19] =	ssyncset.done @p5 $0x0  }
0x89: {  	[sflag:s19] =	ssyncadd.s32 @p5 $0xFFFFFF80  }
0x8a: {  	_ =	sfence.sel $0x180000  }
0x8b: {  	[bflag:$0x0] =	sbarrier.arrive $0xFFFF  }
0x8c: {  	p0 =	sne.s32 s3, $0x0;
	_ =	strace $0x90000047  }
0x8d: {  	s0 =	sadd.s32 @!p0 $0x100000, s0;
	[bflag:$0x2] =	sbarrier.arrive $0xFFFF  }
0x8e: {  	[sflag:s0] =	ssyncadd.tile.s32 @!p0 $0x1;
	_ =	shalt  }
.Lfunc_end2:
_tile_overlayer_lowered:
.L_overlay_start_2:
0x8f: {  	(tag) =	ssettag $0x2  }
0x90: {  	s0 =	rddreg [dreg:$0x0];
	s2 =	stileid.u32  }
0x91: {  	s1 =	rddreg [dreg:$0x1];
	p0 =	sne.s32 s2, $0x0  }
0x92: {  	s3 =	rddreg [dreg:$0x2];
	[bflag:$0x3] =	sbarrier.arrive $0xFFFF;
	s2 =	simm.s32 @!p0 $0x1C04  }
0x93: {  	[timem:s3], [sflag:s2] =	dma.local @!p0 [hbm:s0], s1  }
0x94: {  	s0 =	simm.s32 @!p0 $0x4  }
0x95: {  	_ =	swait.ge @!p0 [sflag:s0], s1  }
0x96: {  	s1 =	ssub.s32 @!p0 $0x0, s1;
	[sflag:s0] =	ssyncset.done @!p0 $0x0  }
0x97: {  	[sflag:s0] =	ssyncadd.s32 @!p0 s1  }
0x98: {  	[bflag:$0x3] =	sbarrier.arrive $0xFFFF  }
0x99: {  	_ =	shalt  }

</sc_bundles>
